<compile_context>
chip_gen: v7x
topology: tpu7x:2x2x1
jax: 0.10.2.dev20260603
libtpu: 0.0.44.dev20260713+nightly
codegen_flags: <defaults>
</compile_context>

<pallas_src>
import functools

import jax
import jax.numpy as jnp
from jax import lax
from jax.experimental import pallas as pl
from jax.experimental.pallas import tpu as pltpu
from jax.experimental.pallas import tpu_sc as plsc

B, H, W, C = 4, 512, 512, 96
BH = 32
NH = H // BH
L = 16


def _bbox_stage_kernel(pred_ref, true_ref, p_ymin_ref, p_ymax_ref,
                       t_ymin_ref, t_ymax_ref):
    h = pl.program_id(1)
    first = h == 0
    row_f = (h * BH).astype(jnp.float32) + lax.broadcasted_iota(
        jnp.int32, (BH, W), 0).astype(jnp.float32)

    def one_side(x_ref, ymin_ref, ymax_ref):
        x = x_ref[0]
        mask = jnp.max(x, axis=1) > x[:, 0, :]
        ymin_p = jnp.min(jnp.where(mask, row_f, float(H)), axis=0)
        ymax_p = jnp.max(jnp.where(mask, row_f, -1.0), axis=0)

        @pl.when(first)
        def _():
            ymin_ref[0, 0, :] = ymin_p
            ymax_ref[0, 0, :] = ymax_p

        @pl.when(jnp.logical_not(first))
        def _():
            ymin_ref[0, 0, :] = jnp.minimum(ymin_ref[0, 0, :], ymin_p)
            ymax_ref[0, 0, :] = jnp.maximum(ymax_ref[0, 0, :], ymax_p)

    one_side(pred_ref, p_ymin_ref, p_ymax_ref)
    one_side(true_ref, t_ymin_ref, t_ymax_ref)


def _bbox_vectors(pred_t, true_t):
    out_sds = jax.ShapeDtypeStruct((B, 1, W), jnp.float32)
    in_spec = pl.BlockSpec((1, BH, C, W), lambda b, h: (b, h, 0, 0))
    out_spec = pl.BlockSpec((1, 1, W), lambda b, h: (b, 0, 0))
    return pl.pallas_call(
        _bbox_stage_kernel,
        grid=(B, NH),
        in_specs=[in_spec, in_spec],
        out_specs=[out_spec] * 4,
        out_shape=[out_sds] * 4,
        compiler_params=pltpu.CompilerParams(
            dimension_semantics=("parallel", "arbitrary")),
    )(pred_t, true_t)


def _splat(x):
    return jnp.full((L,), x, jnp.float32)


def _sqrt16(d):
    bits = lax.bitcast_convert_type(d, jnp.int32)
    y = lax.bitcast_convert_type(
        jnp.int32(0x1FBD1DF5) + lax.shift_right_logical(bits, 1), jnp.float32)
    for _ in range(4):
        y = 0.5 * (y + d / y)
    return y


def _tanh16(x):
    return 1.0 - 2.0 / (jnp.exp(2.0 * x) + 1.0)


def _side_box(ymin_ref, ymax_ref):
    init = (_splat(float(H)), _splat(-1.0), _splat(float(W)), _splat(-1.0))

    def body(i, carry):
        a_ymn, a_ymx, a_xmn, a_xmx = carry
        off = i * L
        yn = ymin_ref[pl.ds(off, L)]
        yx = ymax_ref[pl.ds(off, L)]
        wf = (lax.iota(jnp.int32, L) + off).astype(jnp.float32)
        active = yx >= 0.0
        return (jnp.minimum(a_ymn, yn),
                jnp.maximum(a_ymx, yx),
                jnp.minimum(a_xmn, jnp.where(active, wf, float(W))),
                jnp.maximum(a_xmx, jnp.where(active, wf, -1.0)))

    a_ymn, a_ymx, a_xmn, a_xmx = lax.fori_loop(0, W // L, body, init)
    ymn = _splat(jnp.min(a_ymn))
    ymx = _splat(jnp.max(a_ymx))
    xmn = _splat(jnp.min(a_xmn))
    xmx = _splat(jnp.max(a_xmx))
    nonempty = ymx >= 0.0
    y0 = jnp.where(nonempty, ymn, 0.0)
    x0 = jnp.where(nonempty, xmn, 0.0)
    y1 = jnp.where(nonempty, ymx, 1.0)
    x1 = jnp.where(nonempty, xmx, 1.0)
    return y0, x0, y1, x1, nonempty


@functools.cache
def _make_penalty_kernel():
    mesh = plsc.VectorSubcoreMesh(core_axis_name="c", subcore_axis_name="s")
    return functools.partial(
        pl.kernel,
        out_type=jax.ShapeDtypeStruct((B, L), jnp.float32),
        mesh=mesh,
        compiler_params=pltpu.CompilerParams(needs_layout_passes=False),
        scratch_types=[
            pltpu.VMEM((W,), jnp.float32),
            pltpu.VMEM((W,), jnp.float32),
            pltpu.VMEM((W,), jnp.float32),
            pltpu.VMEM((W,), jnp.float32),
            pltpu.VMEM((L,), jnp.float32),
        ],
    )(_penalty_body)


def _penalty_body(p_ymin_hbm, p_ymax_hbm, t_ymin_hbm, t_ymax_hbm, out_hbm,
                  pn_v, px_v, tn_v, tx_v, res_v):
    cid = lax.axis_index("c")
    sid = lax.axis_index("s")

    @pl.when((cid == 0) & (sid < B))
    def _():
        b = sid
        pltpu.sync_copy(p_ymin_hbm.at[b, 0], pn_v)
        pltpu.sync_copy(p_ymax_hbm.at[b, 0], px_v)
        pltpu.sync_copy(t_ymin_hbm.at[b, 0], tn_v)
        pltpu.sync_copy(t_ymax_hbm.at[b, 0], tx_v)
        py0, px0, py1, px1, p_any = _side_box(pn_v, px_v)
        ty0, tx0, ty1, tx1, t_any = _side_box(tn_v, tx_v)

        pred_area = (py1 - py0 + 1.0) * (px1 - px0 + 1.0)
        true_area = (ty1 - ty0 + 1.0) * (tx1 - tx0 + 1.0)
        area_pen = jnp.maximum(pred_area - true_area, 0.0) / (true_area + 1.0)
        cdy = (py0 + py1) / 2.0 - (ty0 + ty1) / 2.0
        cdx = (px0 + px1) / 2.0 - (tx0 + tx1) / 2.0
        center_pen = _sqrt16(cdy * cdy + cdx * cdx) / 20.0
        iy0 = jnp.maximum(py0, ty0)
        ix0 = jnp.maximum(px0, tx0)
        iy1 = jnp.minimum(py1, ty1)
        ix1 = jnp.minimum(px1, tx1)
        inter = (jnp.maximum(0.0, iy1 - iy0 + 1.0)
                 * jnp.maximum(0.0, ix1 - ix0 + 1.0))
        union = pred_area + true_area - inter + 1e-6
        total = area_pen + center_pen + 1.0 - inter / union
        pen = jnp.where(p_any & t_any, _tanh16(total), _splat(0.0))
        res_v[...] = pen
        pltpu.sync_copy(res_v, out_hbm.at[b])


def kernel(prediction_probs, expected_onehot):
    pred_t = jnp.transpose(prediction_probs, (0, 1, 3, 2))
    true_t = jnp.transpose(expected_onehot, (0, 1, 3, 2))
    p_ymin, p_ymax, t_ymin, t_ymax = _bbox_vectors(pred_t, true_t)
    pens = _make_penalty_kernel()(p_ymin, p_ymax, t_ymin, t_ymax)
    return 0.05 * jnp.mean(pens[:, 0])

# --- scband reference (transcript-rebuilt; emitter-appended) ---
"""Pipeline reference for scband-bounding-box-discipline-29429115912855 (READ-ONLY COPY).

The authoritative reference and input builder live on the scoring server;
editing this copy changes nothing except your own understanding.
"""

import jax, jax.numpy as jnp
import numpy as np


def setup_inputs(seed: int = 0) -> dict:
    key = jax.random.key(seed)
    k1, k2 = jax.random.split(key)
    prediction_probs = jax.random.uniform(k1, (4, 512, 512, 96), dtype=jnp.float32)
    expected_onehot = jax.random.uniform(k2, (4, 512, 512, 96), dtype=jnp.float32)
    return {"prediction_probs": prediction_probs, "expected_onehot": expected_onehot}


def _safe_bbox(mask):
    # mask: bool [H, W]. Equivalent to tf.where(mask) -> min/max coords, with fallback [0,0,1,1].
    H, W = mask.shape
    rows = jnp.any(mask, axis=1)
    cols = jnp.any(mask, axis=0)
    ri = jnp.arange(H)
    ci = jnp.arange(W)
    y_min = jnp.min(jnp.where(rows, ri, H))
    y_max = jnp.max(jnp.where(rows, ri, -1))
    x_min = jnp.min(jnp.where(cols, ci, W))
    x_max = jnp.max(jnp.where(cols, ci, -1))
    box = jnp.stack([y_min, x_min, y_max, x_max]).astype(jnp.float32)
    fallback = jnp.array([0.0, 0.0, 1.0, 1.0], dtype=jnp.float32)
    return jnp.where(jnp.any(mask), box, fallback)


def _compute_penalty(pred_mask, true_mask):
    p_box = _safe_bbox(pred_mask)
    t_box = _safe_bbox(true_mask)
    pred_area = (p_box[2] - p_box[0] + 1.0) * (p_box[3] - p_box[1] + 1.0)
    true_area = (t_box[2] - t_box[0] + 1.0) * (t_box[3] - t_box[1] + 1.0)
    area_penalty = jax.nn.relu(pred_area - true_area) / (true_area + 1.0)
    center_offset = jnp.sqrt(
        jnp.square((p_box[0] + p_box[2]) / 2.0 - (t_box[0] + t_box[2]) / 2.0)
        + jnp.square((p_box[1] + p_box[3]) / 2.0 - (t_box[1] + t_box[3]) / 2.0)
    ) / 20.0
    inter_ymin = jnp.maximum(p_box[0], t_box[0])
    inter_xmin = jnp.maximum(p_box[1], t_box[1])
    inter_ymax = jnp.minimum(p_box[2], t_box[2])
    inter_xmax = jnp.minimum(p_box[3], t_box[3])
    inter_area = jnp.maximum(0.0, inter_ymax - inter_ymin + 1.0) * jnp.maximum(0.0, inter_xmax - inter_xmin + 1.0)
    union_area = pred_area + true_area - inter_area + 1e-06
    iou = inter_area / union_area
    iou_penalty = 1.0 - iou
    total_penalty = area_penalty + center_offset + iou_penalty
    return jnp.where(jnp.any(true_mask) & jnp.any(pred_mask), jnp.tanh(total_penalty), 0.0)


def reference(prediction_probs, expected_onehot):
    penalty_weight = 0.05
    pred_classes = jnp.argmax(prediction_probs, axis=-1)
    true_classes = jnp.argmax(expected_onehot, axis=-1)
    pred_mask = pred_classes > 0
    true_mask = true_classes > 0
    penalties = jax.vmap(_compute_penalty)(pred_mask, true_mask)
    return penalty_weight * jnp.mean(penalties)

if __name__ == "__main__":
    import jax
    _d = setup_inputs()
    print(jax.jit(kernel)(*tuple(_d.values())))

</pallas_src>

<mosaic_0001>
#map = affine_map<(d0, d1) -> (0, 0, 0)>
#map1 = affine_map<(d0, d1) -> (0, 0)>
module attributes {stable_mosaic.version = 14 : i64} {
  func.func @_penalty_body(%arg0: i32, %arg1: i32, %arg2: memref<4x1x512xf32, #tpu.memory_space<hbm>>, %arg3: memref<4x1x512xf32, #tpu.memory_space<hbm>>, %arg4: memref<4x1x512xf32, #tpu.memory_space<hbm>>, %arg5: memref<4x1x512xf32, #tpu.memory_space<hbm>>, %arg6: memref<4x16xf32, #tpu.memory_space<hbm>>, %arg7: memref<512xf32, #tpu.memory_space<vmem>>, %arg8: memref<512xf32, #tpu.memory_space<vmem>>, %arg9: memref<512xf32, #tpu.memory_space<vmem>>, %arg10: memref<512xf32, #tpu.memory_space<vmem>>, %arg11: memref<16xf32, #tpu.memory_space<vmem>>) attributes {dimension_semantics = [#tpu.dimension_semantics<core_parallel>, #tpu.dimension_semantics<subcore_parallel>], iteration_bounds = array<i64: 2, 16>, scalar_prefetch = 0 : i64, scratch_operands = 5 : i64, tpu.core_type = #tpu.core_type<sc_vector_subcore>, window_params = [{transform_indices = #map}, {transform_indices = #map}, {transform_indices = #map}, {transform_indices = #map}, {transform_indices = #map1}]} {
    %eq3A = arith.constant 0 : i32
    %eq3A_0 = arith.cmpi eq, %arg0, %eq3A : i32
    %lt3A = arith.constant 4 : i32
    %lt3A_1 = arith.cmpi slt, %arg1, %lt3A : i32
    %and3A = arith.andi %eq3A_0, %lt3A_1 : i1
    %convert_element_type3A = arith.extui %and3A : i1 to i32
    %cond3A = arith.constant 0 : i32
    %cond3A_2 = arith.cmpi ne, %convert_element_type3A, %cond3A : i32
    scf.if %cond3A_2 {
      %run_scoped3A = arith.constant 0 : i32
      "tpu.region"() ({
        %run_scoped3A_214 = tpu.sem_alloc : memref<!tpu.dma_semaphore, #tpu.memory_space<semaphore_mem>>
        %dma_start3A = arith.constant 0 : i32
        %dma_start3A_215 = tpu.memref_slice %arg2[%arg1, %run_scoped3A, %dma_start3A] : memref<4x1x512xf32, #tpu.memory_space<hbm>> -> memref<1x1x512xf32, #tpu.memory_space<hbm>>
        %dma_start3A_216 = tpu.memref_squeeze %dma_start3A_215 : memref<1x1x512xf32, #tpu.memory_space<hbm>> -> memref<512xf32, #tpu.memory_space<hbm>>
        %dma_start3A_217 = arith.constant 0 : i32
        %dma_start3A_218 = tpu.memref_slice %arg2[%arg1, %run_scoped3A, %dma_start3A_217] : memref<4x1x512xf32, #tpu.memory_space<hbm>> -> memref<1x1x512xf32, #tpu.memory_space<hbm>>
        %dma_start3A_219 = tpu.memref_squeeze %dma_start3A_218 : memref<1x1x512xf32, #tpu.memory_space<hbm>> -> memref<512xf32, #tpu.memory_space<hbm>>
        tpu.enqueue_dma source(%dma_start3A_219 : memref<512xf32, #tpu.memory_space<hbm>>) target(%arg7 : memref<512xf32, #tpu.memory_space<vmem>>) target_semaphore(%run_scoped3A_214 : memref<!tpu.dma_semaphore, #tpu.memory_space<semaphore_mem>>)
        %dma_wait3A = arith.constant 0 : i32
        %dma_wait3A_220 = tpu.memref_slice %arg2[%arg1, %run_scoped3A, %dma_wait3A] : memref<4x1x512xf32, #tpu.memory_space<hbm>> -> memref<1x1x512xf32, #tpu.memory_space<hbm>>
        %dma_wait3A_221 = tpu.memref_squeeze %dma_wait3A_220 : memref<1x1x512xf32, #tpu.memory_space<hbm>> -> memref<512xf32, #tpu.memory_space<hbm>>
        %dma_wait3A_222 = arith.constant 0 : i32
        %dma_wait3A_223 = tpu.memref_slice %arg2[%arg1, %run_scoped3A, %dma_wait3A_222] : memref<4x1x512xf32, #tpu.memory_space<hbm>> -> memref<1x1x512xf32, #tpu.memory_space<hbm>>
        %dma_wait3A_224 = tpu.memref_squeeze %dma_wait3A_223 : memref<1x1x512xf32, #tpu.memory_space<hbm>> -> memref<512xf32, #tpu.memory_space<hbm>>
        tpu.wait_dma2 semaphore(%run_scoped3A_214 : memref<!tpu.dma_semaphore, #tpu.memory_space<semaphore_mem>>) src(%dma_wait3A_224 : memref<512xf32, #tpu.memory_space<hbm>>) dst(%arg7 : memref<512xf32, #tpu.memory_space<vmem>>)
        tpu.yield
      }) : () -> ()
      %run_scoped3A_3 = arith.constant 0 : i32
      "tpu.region"() ({
        %run_scoped3A_214 = tpu.sem_alloc : memref<!tpu.dma_semaphore, #tpu.memory_space<semaphore_mem>>
        %dma_start3A = arith.constant 0 : i32
        %dma_start3A_215 = tpu.memref_slice %arg3[%arg1, %run_scoped3A_3, %dma_start3A] : memref<4x1x512xf32, #tpu.memory_space<hbm>> -> memref<1x1x512xf32, #tpu.memory_space<hbm>>
        %dma_start3A_216 = tpu.memref_squeeze %dma_start3A_215 : memref<1x1x512xf32, #tpu.memory_space<hbm>> -> memref<512xf32, #tpu.memory_space<hbm>>
        %dma_start3A_217 = arith.constant 0 : i32
        %dma_start3A_218 = tpu.memref_slice %arg3[%arg1, %run_scoped3A_3, %dma_start3A_217] : memref<4x1x512xf32, #tpu.memory_space<hbm>> -> memref<1x1x512xf32, #tpu.memory_space<hbm>>
        %dma_start3A_219 = tpu.memref_squeeze %dma_start3A_218 : memref<1x1x512xf32, #tpu.memory_space<hbm>> -> memref<512xf32, #tpu.memory_space<hbm>>
        tpu.enqueue_dma source(%dma_start3A_219 : memref<512xf32, #tpu.memory_space<hbm>>) target(%arg8 : memref<512xf32, #tpu.memory_space<vmem>>) target_semaphore(%run_scoped3A_214 : memref<!tpu.dma_semaphore, #tpu.memory_space<semaphore_mem>>)
        %dma_wait3A = arith.constant 0 : i32
        %dma_wait3A_220 = tpu.memref_slice %arg3[%arg1, %run_scoped3A_3, %dma_wait3A] : memref<4x1x512xf32, #tpu.memory_space<hbm>> -> memref<1x1x512xf32, #tpu.memory_space<hbm>>
        %dma_wait3A_221 = tpu.memref_squeeze %dma_wait3A_220 : memref<1x1x512xf32, #tpu.memory_space<hbm>> -> memref<512xf32, #tpu.memory_space<hbm>>
        %dma_wait3A_222 = arith.constant 0 : i32
        %dma_wait3A_223 = tpu.memref_slice %arg3[%arg1, %run_scoped3A_3, %dma_wait3A_222] : memref<4x1x512xf32, #tpu.memory_space<hbm>> -> memref<1x1x512xf32, #tpu.memory_space<hbm>>
        %dma_wait3A_224 = tpu.memref_squeeze %dma_wait3A_223 : memref<1x1x512xf32, #tpu.memory_space<hbm>> -> memref<512xf32, #tpu.memory_space<hbm>>
        tpu.wait_dma2 semaphore(%run_scoped3A_214 : memref<!tpu.dma_semaphore, #tpu.memory_space<semaphore_mem>>) src(%dma_wait3A_224 : memref<512xf32, #tpu.memory_space<hbm>>) dst(%arg8 : memref<512xf32, #tpu.memory_space<vmem>>)
        tpu.yield
      }) : () -> ()
      %run_scoped3A_4 = arith.constant 0 : i32
      "tpu.region"() ({
        %run_scoped3A_214 = tpu.sem_alloc : memref<!tpu.dma_semaphore, #tpu.memory_space<semaphore_mem>>
        %dma_start3A = arith.constant 0 : i32
        %dma_start3A_215 = tpu.memref_slice %arg4[%arg1, %run_scoped3A_4, %dma_start3A] : memref<4x1x512xf32, #tpu.memory_space<hbm>> -> memref<1x1x512xf32, #tpu.memory_space<hbm>>
        %dma_start3A_216 = tpu.memref_squeeze %dma_start3A_215 : memref<1x1x512xf32, #tpu.memory_space<hbm>> -> memref<512xf32, #tpu.memory_space<hbm>>
        %dma_start3A_217 = arith.constant 0 : i32
        %dma_start3A_218 = tpu.memref_slice %arg4[%arg1, %run_scoped3A_4, %dma_start3A_217] : memref<4x1x512xf32, #tpu.memory_space<hbm>> -> memref<1x1x512xf32, #tpu.memory_space<hbm>>
        %dma_start3A_219 = tpu.memref_squeeze %dma_start3A_218 : memref<1x1x512xf32, #tpu.memory_space<hbm>> -> memref<512xf32, #tpu.memory_space<hbm>>
        tpu.enqueue_dma source(%dma_start3A_219 : memref<512xf32, #tpu.memory_space<hbm>>) target(%arg9 : memref<512xf32, #tpu.memory_space<vmem>>) target_semaphore(%run_scoped3A_214 : memref<!tpu.dma_semaphore, #tpu.memory_space<semaphore_mem>>)
        %dma_wait3A = arith.constant 0 : i32
        %dma_wait3A_220 = tpu.memref_slice %arg4[%arg1, %run_scoped3A_4, %dma_wait3A] : memref<4x1x512xf32, #tpu.memory_space<hbm>> -> memref<1x1x512xf32, #tpu.memory_space<hbm>>
        %dma_wait3A_221 = tpu.memref_squeeze %dma_wait3A_220 : memref<1x1x512xf32, #tpu.memory_space<hbm>> -> memref<512xf32, #tpu.memory_space<hbm>>
        %dma_wait3A_222 = arith.constant 0 : i32
        %dma_wait3A_223 = tpu.memref_slice %arg4[%arg1, %run_scoped3A_4, %dma_wait3A_222] : memref<4x1x512xf32, #tpu.memory_space<hbm>> -> memref<1x1x512xf32, #tpu.memory_space<hbm>>
        %dma_wait3A_224 = tpu.memref_squeeze %dma_wait3A_223 : memref<1x1x512xf32, #tpu.memory_space<hbm>> -> memref<512xf32, #tpu.memory_space<hbm>>
        tpu.wait_dma2 semaphore(%run_scoped3A_214 : memref<!tpu.dma_semaphore, #tpu.memory_space<semaphore_mem>>) src(%dma_wait3A_224 : memref<512xf32, #tpu.memory_space<hbm>>) dst(%arg9 : memref<512xf32, #tpu.memory_space<vmem>>)
        tpu.yield
      }) : () -> ()
      %run_scoped3A_5 = arith.constant 0 : i32
      "tpu.region"() ({
        %run_scoped3A_214 = tpu.sem_alloc : memref<!tpu.dma_semaphore, #tpu.memory_space<semaphore_mem>>
        %dma_start3A = arith.constant 0 : i32
        %dma_start3A_215 = tpu.memref_slice %arg5[%arg1, %run_scoped3A_5, %dma_start3A] : memref<4x1x512xf32, #tpu.memory_space<hbm>> -> memref<1x1x512xf32, #tpu.memory_space<hbm>>
        %dma_start3A_216 = tpu.memref_squeeze %dma_start3A_215 : memref<1x1x512xf32, #tpu.memory_space<hbm>> -> memref<512xf32, #tpu.memory_space<hbm>>
        %dma_start3A_217 = arith.constant 0 : i32
        %dma_start3A_218 = tpu.memref_slice %arg5[%arg1, %run_scoped3A_5, %dma_start3A_217] : memref<4x1x512xf32, #tpu.memory_space<hbm>> -> memref<1x1x512xf32, #tpu.memory_space<hbm>>
        %dma_start3A_219 = tpu.memref_squeeze %dma_start3A_218 : memref<1x1x512xf32, #tpu.memory_space<hbm>> -> memref<512xf32, #tpu.memory_space<hbm>>
        tpu.enqueue_dma source(%dma_start3A_219 : memref<512xf32, #tpu.memory_space<hbm>>) target(%arg10 : memref<512xf32, #tpu.memory_space<vmem>>) target_semaphore(%run_scoped3A_214 : memref<!tpu.dma_semaphore, #tpu.memory_space<semaphore_mem>>)
        %dma_wait3A = arith.constant 0 : i32
        %dma_wait3A_220 = tpu.memref_slice %arg5[%arg1, %run_scoped3A_5, %dma_wait3A] : memref<4x1x512xf32, #tpu.memory_space<hbm>> -> memref<1x1x512xf32, #tpu.memory_space<hbm>>
        %dma_wait3A_221 = tpu.memref_squeeze %dma_wait3A_220 : memref<1x1x512xf32, #tpu.memory_space<hbm>> -> memref<512xf32, #tpu.memory_space<hbm>>
        %dma_wait3A_222 = arith.constant 0 : i32
        %dma_wait3A_223 = tpu.memref_slice %arg5[%arg1, %run_scoped3A_5, %dma_wait3A_222] : memref<4x1x512xf32, #tpu.memory_space<hbm>> -> memref<1x1x512xf32, #tpu.memory_space<hbm>>
        %dma_wait3A_224 = tpu.memref_squeeze %dma_wait3A_223 : memref<1x1x512xf32, #tpu.memory_space<hbm>> -> memref<512xf32, #tpu.memory_space<hbm>>
        tpu.wait_dma2 semaphore(%run_scoped3A_214 : memref<!tpu.dma_semaphore, #tpu.memory_space<semaphore_mem>>) src(%dma_wait3A_224 : memref<512xf32, #tpu.memory_space<hbm>>) dst(%arg10 : memref<512xf32, #tpu.memory_space<vmem>>)
        tpu.yield
      }) : () -> ()
      %broadcast_in_dim3A = arith.constant 5.120000e+02 : f32
      %broadcast_in_dim3A_6 = vector.broadcast %broadcast_in_dim3A : f32 to vector<16xf32>
      %broadcast_in_dim3A_7 = arith.constant -1.000000e+00 : f32
      %broadcast_in_dim3A_8 = vector.broadcast %broadcast_in_dim3A_7 : f32 to vector<16xf32>
      %broadcast_in_dim3A_9 = arith.constant 5.120000e+02 : f32
      %broadcast_in_dim3A_10 = vector.broadcast %broadcast_in_dim3A_9 : f32 to vector<16xf32>
      %broadcast_in_dim3A_11 = arith.constant -1.000000e+00 : f32
      %broadcast_in_dim3A_12 = vector.broadcast %broadcast_in_dim3A_11 : f32 to vector<16xf32>
      %scan3A = arith.constant 0 : i32
      %scan3A_13 = arith.constant 32 : i32
      %scan3A_14 = arith.addi %scan3A, %scan3A_13 : i32
      %scan3A_15 = arith.constant 1 : i32
      %scan3A_16:4 = scf.for %scan3A_214 = %scan3A to %scan3A_14 step %scan3A_15 iter_args(%scan3A_215 = %broadcast_in_dim3A_6, %scan3A_216 = %broadcast_in_dim3A_8, %scan3A_217 = %broadcast_in_dim3A_10, %scan3A_218 = %broadcast_in_dim3A_12) -> (vector<16xf32>, vector<16xf32>, vector<16xf32>, vector<16xf32>)  : i32 {
        %mul3A_219 = arith.constant 16 : i32
        %mul3A_220 = arith.muli %scan3A_214, %mul3A_219 : i32
        %get3A = arith.index_cast %mul3A_220 : i32 to index
        %get3A_221 = tpu.vector_load %arg7[%get3A] {strides = array<i32>} : memref<512xf32, #tpu.memory_space<vmem>>, vector<16xf32>,
        %get3A_222 = arith.index_cast %mul3A_220 : i32 to index
        %get3A_223 = tpu.vector_load %arg8[%get3A_222] {strides = array<i32>} : memref<512xf32, #tpu.memory_space<vmem>>, vector<16xf32>,
        %iota3A = tpu.iota {dimensions = array<i32: 0>} : vector<16xi32>
        %add3A_224 = vector.broadcast %mul3A_220 : i32 to vector<16xi32>
        %add3A_225 = arith.addi %iota3A, %add3A_224 : vector<16xi32>
        %convert_element_type3A_226 = arith.sitofp %add3A_225 : vector<16xi32> to vector<16xf32>
        %ge3A_227 = arith.constant 0.000000e+00 : f32
        %ge3A_228 = vector.broadcast %ge3A_227 : f32 to vector<16xf32>
        %ge3A_229 = arith.cmpf oge, %get3A_223, %ge3A_228 : vector<16xf32>
        %min3A_230 = arith.minimumf %scan3A_215, %get3A_221 : vector<16xf32>
        %max3A_231 = arith.maximumf %scan3A_216, %get3A_223 : vector<16xf32>
        %jit3A_232 = arith.constant 5.120000e+02 : f32
        %broadcast_in_dim3A_233 = vector.broadcast %jit3A_232 : f32 to vector<16xf32>
        %select_n3A_234 = arith.select %ge3A_229, %convert_element_type3A_226, %broadcast_in_dim3A_233 : vector<16xi1>, vector<16xf32>
        %min3A_235 = arith.minimumf %scan3A_217, %select_n3A_234 : vector<16xf32>
        %jit3A_236 = arith.constant -1.000000e+00 : f32
        %broadcast_in_dim3A_237 = vector.broadcast %jit3A_236 : f32 to vector<16xf32>
        %select_n3A_238 = arith.select %ge3A_229, %convert_element_type3A_226, %broadcast_in_dim3A_237 : vector<16xi1>, vector<16xf32>
        %max3A_239 = arith.maximumf %scan3A_218, %select_n3A_238 : vector<16xf32>
        scf.yield %min3A_230, %max3A_231, %min3A_235, %max3A_239 : vector<16xf32>, vector<16xf32>, vector<16xf32>, vector<16xf32>
      }
      %scan3A_17 = arith.constant 32 : i32
      %reduce_min3A = arith.constant true
      %reduce_min3A_18 = vector.broadcast %reduce_min3A : i1 to vector<16xi1>
      %reduce_min3A_19 = tpu.scan <min>, %scan3A_16#0 masked %reduce_min3A_18 : vector<16xf32>, vector<16xi1> -> vector<16xf32>
      %reduce_min3A_20 = vector.extract %reduce_min3A_19[15] : f32 from vector<16xf32>
      %broadcast_in_dim3A_21 = vector.broadcast %reduce_min3A_20 : f32 to vector<16xf32>
      %reduce_max3A = arith.constant true
      %reduce_max3A_22 = vector.broadcast %reduce_max3A : i1 to vector<16xi1>
      %reduce_max3A_23 = tpu.scan <max>, %scan3A_16#1 masked %reduce_max3A_22 : vector<16xf32>, vector<16xi1> -> vector<16xf32>
      %reduce_max3A_24 = vector.extract %reduce_max3A_23[15] : f32 from vector<16xf32>
      %broadcast_in_dim3A_25 = vector.broadcast %reduce_max3A_24 : f32 to vector<16xf32>
      %reduce_min3A_26 = arith.constant true
      %reduce_min3A_27 = vector.broadcast %reduce_min3A_26 : i1 to vector<16xi1>
      %reduce_min3A_28 = tpu.scan <min>, %scan3A_16#2 masked %reduce_min3A_27 : vector<16xf32>, vector<16xi1> -> vector<16xf32>
      %reduce_min3A_29 = vector.extract %reduce_min3A_28[15] : f32 from vector<16xf32>
      %broadcast_in_dim3A_30 = vector.broadcast %reduce_min3A_29 : f32 to vector<16xf32>
      %reduce_max3A_31 = arith.constant true
      %reduce_max3A_32 = vector.broadcast %reduce_max3A_31 : i1 to vector<16xi1>
      %reduce_max3A_33 = tpu.scan <max>, %scan3A_16#3 masked %reduce_max3A_32 : vector<16xf32>, vector<16xi1> -> vector<16xf32>
      %reduce_max3A_34 = vector.extract %reduce_max3A_33[15] : f32 from vector<16xf32>
      %broadcast_in_dim3A_35 = vector.broadcast %reduce_max3A_34 : f32 to vector<16xf32>
      %ge3A = arith.constant 0.000000e+00 : f32
      %ge3A_36 = vector.broadcast %ge3A : f32 to vector<16xf32>
      %ge3A_37 = arith.cmpf oge, %broadcast_in_dim3A_25, %ge3A_36 : vector<16xf32>
      %jit3A = arith.constant 0.000000e+00 : f32
      %broadcast_in_dim3A_38 = vector.broadcast %jit3A : f32 to vector<16xf32>
      %select_n3A = arith.select %ge3A_37, %broadcast_in_dim3A_21, %broadcast_in_dim3A_38 : vector<16xi1>, vector<16xf32>
      %jit3A_39 = arith.constant 0.000000e+00 : f32
      %broadcast_in_dim3A_40 = vector.broadcast %jit3A_39 : f32 to vector<16xf32>
      %select_n3A_41 = arith.select %ge3A_37, %broadcast_in_dim3A_30, %broadcast_in_dim3A_40 : vector<16xi1>, vector<16xf32>
      %jit3A_42 = arith.constant 1.000000e+00 : f32
      %broadcast_in_dim3A_43 = vector.broadcast %jit3A_42 : f32 to vector<16xf32>
      %select_n3A_44 = arith.select %ge3A_37, %broadcast_in_dim3A_25, %broadcast_in_dim3A_43 : vector<16xi1>, vector<16xf32>
      %jit3A_45 = arith.constant 1.000000e+00 : f32
      %broadcast_in_dim3A_46 = vector.broadcast %jit3A_45 : f32 to vector<16xf32>
      %select_n3A_47 = arith.select %ge3A_37, %broadcast_in_dim3A_35, %broadcast_in_dim3A_46 : vector<16xi1>, vector<16xf32>
      %broadcast_in_dim3A_48 = arith.constant 5.120000e+02 : f32
      %broadcast_in_dim3A_49 = vector.broadcast %broadcast_in_dim3A_48 : f32 to vector<16xf32>
      %broadcast_in_dim3A_50 = arith.constant -1.000000e+00 : f32
      %broadcast_in_dim3A_51 = vector.broadcast %broadcast_in_dim3A_50 : f32 to vector<16xf32>
      %broadcast_in_dim3A_52 = arith.constant 5.120000e+02 : f32
      %broadcast_in_dim3A_53 = vector.broadcast %broadcast_in_dim3A_52 : f32 to vector<16xf32>
      %broadcast_in_dim3A_54 = arith.constant -1.000000e+00 : f32
      %broadcast_in_dim3A_55 = vector.broadcast %broadcast_in_dim3A_54 : f32 to vector<16xf32>
      %scan3A_56 = arith.constant 0 : i32
      %scan3A_57 = arith.constant 32 : i32
      %scan3A_58 = arith.addi %scan3A_56, %scan3A_57 : i32
      %scan3A_59 = arith.constant 1 : i32
      %scan3A_60:4 = scf.for %scan3A_214 = %scan3A_56 to %scan3A_58 step %scan3A_59 iter_args(%scan3A_215 = %broadcast_in_dim3A_49, %scan3A_216 = %broadcast_in_dim3A_51, %scan3A_217 = %broadcast_in_dim3A_53, %scan3A_218 = %broadcast_in_dim3A_55) -> (vector<16xf32>, vector<16xf32>, vector<16xf32>, vector<16xf32>)  : i32 {
        %mul3A_219 = arith.constant 16 : i32
        %mul3A_220 = arith.muli %scan3A_214, %mul3A_219 : i32
        %get3A = arith.index_cast %mul3A_220 : i32 to index
        %get3A_221 = tpu.vector_load %arg9[%get3A] {strides = array<i32>} : memref<512xf32, #tpu.memory_space<vmem>>, vector<16xf32>,
        %get3A_222 = arith.index_cast %mul3A_220 : i32 to index
        %get3A_223 = tpu.vector_load %arg10[%get3A_222] {strides = array<i32>} : memref<512xf32, #tpu.memory_space<vmem>>, vector<16xf32>,
        %iota3A = tpu.iota {dimensions = array<i32: 0>} : vector<16xi32>
        %add3A_224 = vector.broadcast %mul3A_220 : i32 to vector<16xi32>
        %add3A_225 = arith.addi %iota3A, %add3A_224 : vector<16xi32>
        %convert_element_type3A_226 = arith.sitofp %add3A_225 : vector<16xi32> to vector<16xf32>
        %ge3A_227 = arith.constant 0.000000e+00 : f32
        %ge3A_228 = vector.broadcast %ge3A_227 : f32 to vector<16xf32>
        %ge3A_229 = arith.cmpf oge, %get3A_223, %ge3A_228 : vector<16xf32>
        %min3A_230 = arith.minimumf %scan3A_215, %get3A_221 : vector<16xf32>
        %max3A_231 = arith.maximumf %scan3A_216, %get3A_223 : vector<16xf32>
        %jit3A_232 = arith.constant 5.120000e+02 : f32
        %broadcast_in_dim3A_233 = vector.broadcast %jit3A_232 : f32 to vector<16xf32>
        %select_n3A_234 = arith.select %ge3A_229, %convert_element_type3A_226, %broadcast_in_dim3A_233 : vector<16xi1>, vector<16xf32>
        %min3A_235 = arith.minimumf %scan3A_217, %select_n3A_234 : vector<16xf32>
        %jit3A_236 = arith.constant -1.000000e+00 : f32
        %broadcast_in_dim3A_237 = vector.broadcast %jit3A_236 : f32 to vector<16xf32>
        %select_n3A_238 = arith.select %ge3A_229, %convert_element_type3A_226, %broadcast_in_dim3A_237 : vector<16xi1>, vector<16xf32>
        %max3A_239 = arith.maximumf %scan3A_218, %select_n3A_238 : vector<16xf32>
        scf.yield %min3A_230, %max3A_231, %min3A_235, %max3A_239 : vector<16xf32>, vector<16xf32>, vector<16xf32>, vector<16xf32>
      }
      %scan3A_61 = arith.constant 32 : i32
      %reduce_min3A_62 = arith.constant true
      %reduce_min3A_63 = vector.broadcast %reduce_min3A_62 : i1 to vector<16xi1>
      %reduce_min3A_64 = tpu.scan <min>, %scan3A_60#0 masked %reduce_min3A_63 : vector<16xf32>, vector<16xi1> -> vector<16xf32>
      %reduce_min3A_65 = vector.extract %reduce_min3A_64[15] : f32 from vector<16xf32>
      %broadcast_in_dim3A_66 = vector.broadcast %reduce_min3A_65 : f32 to vector<16xf32>
      %reduce_max3A_67 = arith.constant true
      %reduce_max3A_68 = vector.broadcast %reduce_max3A_67 : i1 to vector<16xi1>
      %reduce_max3A_69 = tpu.scan <max>, %scan3A_60#1 masked %reduce_max3A_68 : vector<16xf32>, vector<16xi1> -> vector<16xf32>
      %reduce_max3A_70 = vector.extract %reduce_max3A_69[15] : f32 from vector<16xf32>
      %broadcast_in_dim3A_71 = vector.broadcast %reduce_max3A_70 : f32 to vector<16xf32>
      %reduce_min3A_72 = arith.constant true
      %reduce_min3A_73 = vector.broadcast %reduce_min3A_72 : i1 to vector<16xi1>
      %reduce_min3A_74 = tpu.scan <min>, %scan3A_60#2 masked %reduce_min3A_73 : vector<16xf32>, vector<16xi1> -> vector<16xf32>
      %reduce_min3A_75 = vector.extract %reduce_min3A_74[15] : f32 from vector<16xf32>
      %broadcast_in_dim3A_76 = vector.broadcast %reduce_min3A_75 : f32 to vector<16xf32>
      %reduce_max3A_77 = arith.constant true
      %reduce_max3A_78 = vector.broadcast %reduce_max3A_77 : i1 to vector<16xi1>
      %reduce_max3A_79 = tpu.scan <max>, %scan3A_60#3 masked %reduce_max3A_78 : vector<16xf32>, vector<16xi1> -> vector<16xf32>
      %reduce_max3A_80 = vector.extract %reduce_max3A_79[15] : f32 from vector<16xf32>
      %broadcast_in_dim3A_81 = vector.broadcast %reduce_max3A_80 : f32 to vector<16xf32>
      %ge3A_82 = arith.constant 0.000000e+00 : f32
      %ge3A_83 = vector.broadcast %ge3A_82 : f32 to vector<16xf32>
      %ge3A_84 = arith.cmpf oge, %broadcast_in_dim3A_71, %ge3A_83 : vector<16xf32>
      %jit3A_85 = arith.constant 0.000000e+00 : f32
      %broadcast_in_dim3A_86 = vector.broadcast %jit3A_85 : f32 to vector<16xf32>
      %select_n3A_87 = arith.select %ge3A_84, %broadcast_in_dim3A_66, %broadcast_in_dim3A_86 : vector<16xi1>, vector<16xf32>
      %jit3A_88 = arith.constant 0.000000e+00 : f32
      %broadcast_in_dim3A_89 = vector.broadcast %jit3A_88 : f32 to vector<16xf32>
      %select_n3A_90 = arith.select %ge3A_84, %broadcast_in_dim3A_76, %broadcast_in_dim3A_89 : vector<16xi1>, vector<16xf32>
      %jit3A_91 = arith.constant 1.000000e+00 : f32
      %broadcast_in_dim3A_92 = vector.broadcast %jit3A_91 : f32 to vector<16xf32>
      %select_n3A_93 = arith.select %ge3A_84, %broadcast_in_dim3A_71, %broadcast_in_dim3A_92 : vector<16xi1>, vector<16xf32>
      %jit3A_94 = arith.constant 1.000000e+00 : f32
      %broadcast_in_dim3A_95 = vector.broadcast %jit3A_94 : f32 to vector<16xf32>
      %select_n3A_96 = arith.select %ge3A_84, %broadcast_in_dim3A_81, %broadcast_in_dim3A_95 : vector<16xi1>, vector<16xf32>
      %sub3A = arith.subf %select_n3A_44, %select_n3A : vector<16xf32>
      %add3A = arith.constant 1.000000e+00 : f32
      %add3A_97 = vector.broadcast %add3A : f32 to vector<16xf32>
      %add3A_98 = arith.addf %sub3A, %add3A_97 : vector<16xf32>
      %sub3A_99 = arith.subf %select_n3A_47, %select_n3A_41 : vector<16xf32>
      %add3A_100 = arith.constant 1.000000e+00 : f32
      %add3A_101 = vector.broadcast %add3A_100 : f32 to vector<16xf32>
      %add3A_102 = arith.addf %sub3A_99, %add3A_101 : vector<16xf32>
      %mul3A = arith.mulf %add3A_98, %add3A_102 : vector<16xf32>
      %sub3A_103 = arith.subf %select_n3A_93, %select_n3A_87 : vector<16xf32>
      %add3A_104 = arith.constant 1.000000e+00 : f32
      %add3A_105 = vector.broadcast %add3A_104 : f32 to vector<16xf32>
      %add3A_106 = arith.addf %sub3A_103, %add3A_105 : vector<16xf32>
      %sub3A_107 = arith.subf %select_n3A_96, %select_n3A_90 : vector<16xf32>
      %add3A_108 = arith.constant 1.000000e+00 : f32
      %add3A_109 = vector.broadcast %add3A_108 : f32 to vector<16xf32>
      %add3A_110 = arith.addf %sub3A_107, %add3A_109 : vector<16xf32>
      %mul3A_111 = arith.mulf %add3A_106, %add3A_110 : vector<16xf32>
      %sub3A_112 = arith.subf %mul3A, %mul3A_111 : vector<16xf32>
      %max3A = arith.constant 0.000000e+00 : f32
      %max3A_113 = vector.broadcast %max3A : f32 to vector<16xf32>
      %max3A_114 = arith.maximumf %sub3A_112, %max3A_113 : vector<16xf32>
      %add3A_115 = arith.constant 1.000000e+00 : f32
      %add3A_116 = vector.broadcast %add3A_115 : f32 to vector<16xf32>
      %add3A_117 = arith.addf %mul3A_111, %add3A_116 : vector<16xf32>
      %div3A = arith.divf %max3A_114, %add3A_117 : vector<16xf32>
      %add3A_118 = arith.addf %select_n3A, %select_n3A_44 : vector<16xf32>
      %div3A_119 = arith.constant 2.000000e+00 : f32
      %div3A_120 = vector.broadcast %div3A_119 : f32 to vector<16xf32>
      %div3A_121 = arith.divf %add3A_118, %div3A_120 : vector<16xf32>
      %add3A_122 = arith.addf %select_n3A_87, %select_n3A_93 : vector<16xf32>
      %div3A_123 = arith.constant 2.000000e+00 : f32
      %div3A_124 = vector.broadcast %div3A_123 : f32 to vector<16xf32>
      %div3A_125 = arith.divf %add3A_122, %div3A_124 : vector<16xf32>
      %sub3A_126 = arith.subf %div3A_121, %div3A_125 : vector<16xf32>
      %add3A_127 = arith.addf %select_n3A_41, %select_n3A_47 : vector<16xf32>
      %div3A_128 = arith.constant 2.000000e+00 : f32
      %div3A_129 = vector.broadcast %div3A_128 : f32 to vector<16xf32>
      %div3A_130 = arith.divf %add3A_127, %div3A_129 : vector<16xf32>
      %add3A_131 = arith.addf %select_n3A_90, %select_n3A_96 : vector<16xf32>
      %div3A_132 = arith.constant 2.000000e+00 : f32
      %div3A_133 = vector.broadcast %div3A_132 : f32 to vector<16xf32>
      %div3A_134 = arith.divf %add3A_131, %div3A_133 : vector<16xf32>
      %sub3A_135 = arith.subf %div3A_130, %div3A_134 : vector<16xf32>
      %mul3A_136 = arith.mulf %sub3A_126, %sub3A_126 : vector<16xf32>
      %mul3A_137 = arith.mulf %sub3A_135, %sub3A_135 : vector<16xf32>
      %add3A_138 = arith.addf %mul3A_136, %mul3A_137 : vector<16xf32>
      %bitcast_convert_type3A = tpu.bitcast %add3A_138 : vector<16xf32> -> vector<16xi32>
      %shift_right_logical3A = arith.constant 1 : i32
      %shift_right_logical3A_139 = vector.broadcast %shift_right_logical3A : i32 to vector<16xi32>
      %shift_right_logical3A_140 = arith.shrui %bitcast_convert_type3A, %shift_right_logical3A_139 : vector<16xi32>
      %add3A_141 = arith.constant 532487669 : i32
      %add3A_142 = vector.broadcast %add3A_141 : i32 to vector<16xi32>
      %add3A_143 = arith.addi %add3A_142, %shift_right_logical3A_140 : vector<16xi32>
      %bitcast_convert_type3A_144 = tpu.bitcast %add3A_143 : vector<16xi32> -> vector<16xf32>
      %div3A_145 = arith.divf %add3A_138, %bitcast_convert_type3A_144 : vector<16xf32>
      %add3A_146 = arith.addf %bitcast_convert_type3A_144, %div3A_145 : vector<16xf32>
      %mul3A_147 = arith.constant 5.000000e-01 : f32
      %mul3A_148 = vector.broadcast %mul3A_147 : f32 to vector<16xf32>
      %mul3A_149 = arith.mulf %mul3A_148, %add3A_146 : vector<16xf32>
      %div3A_150 = arith.divf %add3A_138, %mul3A_149 : vector<16xf32>
      %add3A_151 = arith.addf %mul3A_149, %div3A_150 : vector<16xf32>
      %mul3A_152 = arith.constant 5.000000e-01 : f32
      %mul3A_153 = vector.broadcast %mul3A_152 : f32 to vector<16xf32>
      %mul3A_154 = arith.mulf %mul3A_153, %add3A_151 : vector<16xf32>
      %div3A_155 = arith.divf %add3A_138, %mul3A_154 : vector<16xf32>
      %add3A_156 = arith.addf %mul3A_154, %div3A_155 : vector<16xf32>
      %mul3A_157 = arith.constant 5.000000e-01 : f32
      %mul3A_158 = vector.broadcast %mul3A_157 : f32 to vector<16xf32>
      %mul3A_159 = arith.mulf %mul3A_158, %add3A_156 : vector<16xf32>
      %div3A_160 = arith.divf %add3A_138, %mul3A_159 : vector<16xf32>
      %add3A_161 = arith.addf %mul3A_159, %div3A_160 : vector<16xf32>
      %mul3A_162 = arith.constant 5.000000e-01 : f32
      %mul3A_163 = vector.broadcast %mul3A_162 : f32 to vector<16xf32>
      %mul3A_164 = arith.mulf %mul3A_163, %add3A_161 : vector<16xf32>
      %div3A_165 = arith.constant 2.000000e+01 : f32
      %div3A_166 = vector.broadcast %div3A_165 : f32 to vector<16xf32>
      %div3A_167 = arith.divf %mul3A_164, %div3A_166 : vector<16xf32>
      %max3A_168 = arith.maximumf %select_n3A, %select_n3A_87 : vector<16xf32>
      %max3A_169 = arith.maximumf %select_n3A_41, %select_n3A_90 : vector<16xf32>
      %min3A = arith.minimumf %select_n3A_44, %select_n3A_93 : vector<16xf32>
      %min3A_170 = arith.minimumf %select_n3A_47, %select_n3A_96 : vector<16xf32>
      %sub3A_171 = arith.subf %min3A, %max3A_168 : vector<16xf32>
      %add3A_172 = arith.constant 1.000000e+00 : f32
      %add3A_173 = vector.broadcast %add3A_172 : f32 to vector<16xf32>
      %add3A_174 = arith.addf %sub3A_171, %add3A_173 : vector<16xf32>
      %max3A_175 = arith.constant 0.000000e+00 : f32
      %max3A_176 = vector.broadcast %max3A_175 : f32 to vector<16xf32>
      %max3A_177 = arith.maximumf %max3A_176, %add3A_174 : vector<16xf32>
      %sub3A_178 = arith.subf %min3A_170, %max3A_169 : vector<16xf32>
      %add3A_179 = arith.constant 1.000000e+00 : f32
      %add3A_180 = vector.broadcast %add3A_179 : f32 to vector<16xf32>
      %add3A_181 = arith.addf %sub3A_178, %add3A_180 : vector<16xf32>
      %max3A_182 = arith.constant 0.000000e+00 : f32
      %max3A_183 = vector.broadcast %max3A_182 : f32 to vector<16xf32>
      %max3A_184 = arith.maximumf %max3A_183, %add3A_181 : vector<16xf32>
      %mul3A_185 = arith.mulf %max3A_177, %max3A_184 : vector<16xf32>
      %add3A_186 = arith.addf %mul3A, %mul3A_111 : vector<16xf32>
      %sub3A_187 = arith.subf %add3A_186, %mul3A_185 : vector<16xf32>
      %add3A_188 = arith.constant 9.99999997E-7 : f32
      %add3A_189 = vector.broadcast %add3A_188 : f32 to vector<16xf32>
      %add3A_190 = arith.addf %sub3A_187, %add3A_189 : vector<16xf32>
      %add3A_191 = arith.addf %div3A, %div3A_167 : vector<16xf32>
      %add3A_192 = arith.constant 1.000000e+00 : f32
      %add3A_193 = vector.broadcast %add3A_192 : f32 to vector<16xf32>
      %add3A_194 = arith.addf %add3A_191, %add3A_193 : vector<16xf32>
      %div3A_195 = arith.divf %mul3A_185, %add3A_190 : vector<16xf32>
      %sub3A_196 = arith.subf %add3A_194, %div3A_195 : vector<16xf32>
      %and3A_197 = arith.andi %ge3A_37, %ge3A_84 : vector<16xi1>
      %mul3A_198 = arith.constant 2.000000e+00 : f32
      %mul3A_199 = vector.broadcast %mul3A_198 : f32 to vector<16xf32>
      %mul3A_200 = arith.mulf %mul3A_199, %sub3A_196 : vector<16xf32>
      %exp3A = math.exp %mul3A_200 : vector<16xf32>
      %add3A_201 = arith.constant 1.000000e+00 : f32
      %add3A_202 = vector.broadcast %add3A_201 : f32 to vector<16xf32>
      %add3A_203 = arith.addf %exp3A, %add3A_202 : vector<16xf32>
      %div3A_204 = arith.constant 2.000000e+00 : f32
      %div3A_205 = vector.broadcast %div3A_204 : f32 to vector<16xf32>
      %div3A_206 = arith.divf %div3A_205, %add3A_203 : vector<16xf32>
      %sub3A_207 = arith.constant 1.000000e+00 : f32
      %sub3A_208 = vector.broadcast %sub3A_207 : f32 to vector<16xf32>
      %sub3A_209 = arith.subf %sub3A_208, %div3A_206 : vector<16xf32>
      %broadcast_in_dim3A_210 = arith.constant 0.000000e+00 : f32
      %broadcast_in_dim3A_211 = vector.broadcast %broadcast_in_dim3A_210 : f32 to vector<16xf32>
      %select_n3A_212 = arith.select %and3A_197, %sub3A_209, %broadcast_in_dim3A_211 : vector<16xi1>, vector<16xf32>
      %swap3A = arith.constant 0 : index
      %swap3A_213 = tpu.vector_load %arg11[%swap3A] {strides = array<i32>} : memref<16xf32, #tpu.memory_space<vmem>>, vector<16xf32>,
      tpu.vector_store %arg11[%swap3A], %select_n3A_212 {strides = array<i32>} : memref<16xf32, #tpu.memory_space<vmem>>, vector<16xf32>,
      "tpu.region"() ({
        %run_scoped3A_214 = tpu.sem_alloc : memref<!tpu.dma_semaphore, #tpu.memory_space<semaphore_mem>>
        %dma_start3A = arith.constant 0 : i32
        %dma_start3A_215 = tpu.memref_slice %arg6[%arg1, %dma_start3A] : memref<4x16xf32, #tpu.memory_space<hbm>> -> memref<1x16xf32, #tpu.memory_space<hbm>>
        %dma_start3A_216 = tpu.memref_squeeze %dma_start3A_215 : memref<1x16xf32, #tpu.memory_space<hbm>> -> memref<16xf32, #tpu.memory_space<hbm>>
        %dma_start3A_217 = arith.constant 0 : i32
        %dma_start3A_218 = tpu.memref_slice %arg6[%arg1, %dma_start3A_217] : memref<4x16xf32, #tpu.memory_space<hbm>> -> memref<1x16xf32, #tpu.memory_space<hbm>>
        %dma_start3A_219 = tpu.memref_squeeze %dma_start3A_218 : memref<1x16xf32, #tpu.memory_space<hbm>> -> memref<16xf32, #tpu.memory_space<hbm>>
        tpu.enqueue_dma source(%arg11 : memref<16xf32, #tpu.memory_space<vmem>>) target(%dma_start3A_219 : memref<16xf32, #tpu.memory_space<hbm>>) target_semaphore(%run_scoped3A_214 : memref<!tpu.dma_semaphore, #tpu.memory_space<semaphore_mem>>)
        %dma_wait3A = arith.constant 0 : i32
        %dma_wait3A_220 = tpu.memref_slice %arg6[%arg1, %dma_wait3A] : memref<4x16xf32, #tpu.memory_space<hbm>> -> memref<1x16xf32, #tpu.memory_space<hbm>>
        %dma_wait3A_221 = tpu.memref_squeeze %dma_wait3A_220 : memref<1x16xf32, #tpu.memory_space<hbm>> -> memref<16xf32, #tpu.memory_space<hbm>>
        %dma_wait3A_222 = arith.constant 0 : i32
        %dma_wait3A_223 = tpu.memref_slice %arg6[%arg1, %dma_wait3A_222] : memref<4x16xf32, #tpu.memory_space<hbm>> -> memref<1x16xf32, #tpu.memory_space<hbm>>
        %dma_wait3A_224 = tpu.memref_squeeze %dma_wait3A_223 : memref<1x16xf32, #tpu.memory_space<hbm>> -> memref<16xf32, #tpu.memory_space<hbm>>
        tpu.wait_dma2 semaphore(%run_scoped3A_214 : memref<!tpu.dma_semaphore, #tpu.memory_space<semaphore_mem>>) src(%arg11 : memref<16xf32, #tpu.memory_space<vmem>>) dst(%dma_wait3A_224 : memref<16xf32, #tpu.memory_space<hbm>>)
        tpu.yield
      }) : () -> ()
    } else {
    }
    return
  }
}

module attributes {stable_mosaic.version = 14 : i64} {
  func.func @_bbox_stage_kernel(%arg0: i32, %arg1: i32, %arg2: memref<1x32x96x512xf32, #tpu.memory_space<vmem>>, %arg3: memref<1x32x96x512xf32, #tpu.memory_space<vmem>>, %arg4: memref<1x1x512xf32, #tpu.memory_space<vmem>>, %arg5: memref<1x1x512xf32, #tpu.memory_space<vmem>>, %arg6: memref<1x1x512xf32, #tpu.memory_space<vmem>>, %arg7: memref<1x1x512xf32, #tpu.memory_space<vmem>>) attributes {dimension_semantics = [#tpu.dimension_semantics<parallel>, #tpu.dimension_semantics<arbitrary>], iteration_bounds = array<i64: 4, 16>, scalar_prefetch = 0 : i64, scratch_operands = 0 : i64, tpu.core_type = #tpu.core_type<tc>, window_params = [{transform_indices = @transform_0, window_bounds = array<i64: 1, 32, 96, 512>}, {transform_indices = @transform_1, window_bounds = array<i64: 1, 32, 96, 512>}, {transform_indices = @transform_2, window_bounds = array<i64: 1, 1, 512>}, {transform_indices = @transform_3, window_bounds = array<i64: 1, 1, 512>}, {transform_indices = @transform_4, window_bounds = array<i64: 1, 1, 512>}, {transform_indices = @transform_5, window_bounds = array<i64: 1, 1, 512>}]} {
    %eq3A = arith.constant 0 : i32
    %eq3A_0 = arith.cmpi eq, %arg1, %eq3A : i32
    %mul3A = arith.constant 32 : i32
    %mul3A_1 = arith.muli %arg1, %mul3A : i32
    %convert_element_type3A = arith.sitofp %mul3A_1 : i32 to f32
    %iota3A = tpu.iota {dimensions = array<i32: 0>} : vector<32x512xi32>
    %convert_element_type3A_2 = arith.sitofp %iota3A : vector<32x512xi32> to vector<32x512xf32>
    %add3A = vector.broadcast %convert_element_type3A : f32 to vector<32x512xf32>
    %add3A_3 = arith.addf %add3A, %convert_element_type3A_2 : vector<32x512xf32>
    %get3A = arith.constant 0 : index
    %get3A_4 = arith.constant 0 : index
    %get3A_5 = arith.constant 0 : index
    %get3A_6 = arith.constant 0 : index
    %get3A_7 = vector.load %arg2[%get3A, %get3A_4, %get3A_5, %get3A_6] : memref<1x32x96x512xf32, #tpu.memory_space<vmem>>, vector<1x32x96x512xf32>
    %get3A_8 = vector.shape_cast %get3A_7 : vector<1x32x96x512xf32> to vector<32x96x512xf32>
    %reduce_max3A = arith.constant dense<0xFF800000> : vector<32x512xf32>
    %reduce_max3A_9 = vector.multi_reduction <maximumf>, %get3A_8, %reduce_max3A [1] : vector<32x96x512xf32> to vector<32x512xf32>
    %slice3A = vector.extract_strided_slice %get3A_8 {offsets = [0, 0, 0], sizes = [32, 1, 512], strides = [1, 1, 1]} : vector<32x96x512xf32> to vector<32x1x512xf32>
    %squeeze3A = vector.shape_cast %slice3A : vector<32x1x512xf32> to vector<32x512xf32>
    %gt3A = arith.cmpf ogt, %reduce_max3A_9, %squeeze3A : vector<32x512xf32>
    %jit3A = arith.constant 5.120000e+02 : f32
    %broadcast_in_dim3A = vector.broadcast %jit3A : f32 to vector<32x512xf32>
    %select_n3A = arith.select %gt3A, %add3A_3, %broadcast_in_dim3A : vector<32x512xi1>, vector<32x512xf32>
    %reduce_min3A = arith.constant dense<0x7F800000> : vector<512xf32>
    %reduce_min3A_10 = vector.multi_reduction <minimumf>, %select_n3A, %reduce_min3A [0] : vector<32x512xf32> to vector<512xf32>
    %jit3A_11 = arith.constant -1.000000e+00 : f32
    %broadcast_in_dim3A_12 = vector.broadcast %jit3A_11 : f32 to vector<32x512xf32>
    %select_n3A_13 = arith.select %gt3A, %add3A_3, %broadcast_in_dim3A_12 : vector<32x512xi1>, vector<32x512xf32>
    %reduce_max3A_14 = arith.constant dense<0xFF800000> : vector<512xf32>
    %reduce_max3A_15 = vector.multi_reduction <maximumf>, %select_n3A_13, %reduce_max3A_14 [0] : vector<32x512xf32> to vector<512xf32>
    %convert_element_type3A_16 = arith.extui %eq3A_0 : i1 to i32
    %cond3A = arith.constant 0 : i32
    %cond3A_17 = arith.cmpi ne, %convert_element_type3A_16, %cond3A : i32
    scf.if %cond3A_17 {
      %swap3A = arith.constant 0 : index
      %swap3A_51 = arith.constant 0 : index
      %swap3A_52 = arith.constant 0 : index
      %swap3A_53 = vector.load %arg4[%swap3A, %swap3A_51, %swap3A_52] : memref<1x1x512xf32, #tpu.memory_space<vmem>>, vector<1x1x512xf32>
      %swap3A_54 = vector.shape_cast %swap3A_53 : vector<1x1x512xf32> to vector<512xf32>
      %swap3A_55 = vector.shape_cast %reduce_min3A_10 : vector<512xf32> to vector<1x1x512xf32>
      tpu.vector_store %arg4[%swap3A, %swap3A_51, %swap3A_52], %swap3A_55 {strides = array<i32>} : memref<1x1x512xf32, #tpu.memory_space<vmem>>, vector<1x1x512xf32>,
      %swap3A_56 = arith.constant 0 : index
      %swap3A_57 = arith.constant 0 : index
      %swap3A_58 = arith.constant 0 : index
      %swap3A_59 = vector.load %arg5[%swap3A_56, %swap3A_57, %swap3A_58] : memref<1x1x512xf32, #tpu.memory_space<vmem>>, vector<1x1x512xf32>
      %swap3A_60 = vector.shape_cast %swap3A_59 : vector<1x1x512xf32> to vector<512xf32>
      %swap3A_61 = vector.shape_cast %reduce_max3A_15 : vector<512xf32> to vector<1x1x512xf32>
      tpu.vector_store %arg5[%swap3A_56, %swap3A_57, %swap3A_58], %swap3A_61 {strides = array<i32>} : memref<1x1x512xf32, #tpu.memory_space<vmem>>, vector<1x1x512xf32>,
    } else {
    }
    %not3A = arith.constant true
    %not3A_18 = arith.xori %eq3A_0, %not3A : i1
    %convert_element_type3A_19 = arith.extui %not3A_18 : i1 to i32
    %cond3A_20 = arith.constant 0 : i32
    %cond3A_21 = arith.cmpi ne, %convert_element_type3A_19, %cond3A_20 : i32
    scf.if %cond3A_21 {
      %get3A_51 = arith.constant 0 : index
      %get3A_52 = arith.constant 0 : index
      %get3A_53 = arith.constant 0 : index
      %get3A_54 = vector.load %arg4[%get3A_51, %get3A_52, %get3A_53] : memref<1x1x512xf32, #tpu.memory_space<vmem>>, vector<1x1x512xf32>
      %get3A_55 = vector.shape_cast %get3A_54 : vector<1x1x512xf32> to vector<512xf32>
      %min3A = arith.minimumf %get3A_55, %reduce_min3A_10 : vector<512xf32>
      %swap3A = arith.constant 0 : index
      %swap3A_56 = arith.constant 0 : index
      %swap3A_57 = arith.constant 0 : index
      %swap3A_58 = vector.load %arg4[%swap3A, %swap3A_56, %swap3A_57] : memref<1x1x512xf32, #tpu.memory_space<vmem>>, vector<1x1x512xf32>
      %swap3A_59 = vector.shape_cast %swap3A_58 : vector<1x1x512xf32> to vector<512xf32>
      %swap3A_60 = vector.shape_cast %min3A : vector<512xf32> to vector<1x1x512xf32>
      tpu.vector_store %arg4[%swap3A, %swap3A_56, %swap3A_57], %swap3A_60 {strides = array<i32>} : memref<1x1x512xf32, #tpu.memory_space<vmem>>, vector<1x1x512xf32>,
      %get3A_61 = arith.constant 0 : index
      %get3A_62 = arith.constant 0 : index
      %get3A_63 = arith.constant 0 : index
      %get3A_64 = vector.load %arg5[%get3A_61, %get3A_62, %get3A_63] : memref<1x1x512xf32, #tpu.memory_space<vmem>>, vector<1x1x512xf32>
      %get3A_65 = vector.shape_cast %get3A_64 : vector<1x1x512xf32> to vector<512xf32>
      %max3A = arith.maximumf %get3A_65, %reduce_max3A_15 : vector<512xf32>
      %swap3A_66 = arith.constant 0 : index
      %swap3A_67 = arith.constant 0 : index
      %swap3A_68 = arith.constant 0 : index
      %swap3A_69 = vector.load %arg5[%swap3A_66, %swap3A_67, %swap3A_68] : memref<1x1x512xf32, #tpu.memory_space<vmem>>, vector<1x1x512xf32>
      %swap3A_70 = vector.shape_cast %swap3A_69 : vector<1x1x512xf32> to vector<512xf32>
      %swap3A_71 = vector.shape_cast %max3A : vector<512xf32> to vector<1x1x512xf32>
      tpu.vector_store %arg5[%swap3A_66, %swap3A_67, %swap3A_68], %swap3A_71 {strides = array<i32>} : memref<1x1x512xf32, #tpu.memory_space<vmem>>, vector<1x1x512xf32>,
    } else {
    }
    %get3A_22 = arith.constant 0 : index
    %get3A_23 = arith.constant 0 : index
    %get3A_24 = arith.constant 0 : index
    %get3A_25 = arith.constant 0 : index
    %get3A_26 = vector.load %arg3[%get3A_22, %get3A_23, %get3A_24, %get3A_25] : memref<1x32x96x512xf32, #tpu.memory_space<vmem>>, vector<1x32x96x512xf32>
    %get3A_27 = vector.shape_cast %get3A_26 : vector<1x32x96x512xf32> to vector<32x96x512xf32>
    %reduce_max3A_28 = arith.constant dense<0xFF800000> : vector<32x512xf32>
    %reduce_max3A_29 = vector.multi_reduction <maximumf>, %get3A_27, %reduce_max3A_28 [1] : vector<32x96x512xf32> to vector<32x512xf32>
    %slice3A_30 = vector.extract_strided_slice %get3A_27 {offsets = [0, 0, 0], sizes = [32, 1, 512], strides = [1, 1, 1]} : vector<32x96x512xf32> to vector<32x1x512xf32>
    %squeeze3A_31 = vector.shape_cast %slice3A_30 : vector<32x1x512xf32> to vector<32x512xf32>
    %gt3A_32 = arith.cmpf ogt, %reduce_max3A_29, %squeeze3A_31 : vector<32x512xf32>
    %jit3A_33 = arith.constant 5.120000e+02 : f32
    %broadcast_in_dim3A_34 = vector.broadcast %jit3A_33 : f32 to vector<32x512xf32>
    %select_n3A_35 = arith.select %gt3A_32, %add3A_3, %broadcast_in_dim3A_34 : vector<32x512xi1>, vector<32x512xf32>
    %reduce_min3A_36 = arith.constant dense<0x7F800000> : vector<512xf32>
    %reduce_min3A_37 = vector.multi_reduction <minimumf>, %select_n3A_35, %reduce_min3A_36 [0] : vector<32x512xf32> to vector<512xf32>
    %jit3A_38 = arith.constant -1.000000e+00 : f32
    %broadcast_in_dim3A_39 = vector.broadcast %jit3A_38 : f32 to vector<32x512xf32>
    %select_n3A_40 = arith.select %gt3A_32, %add3A_3, %broadcast_in_dim3A_39 : vector<32x512xi1>, vector<32x512xf32>
    %reduce_max3A_41 = arith.constant dense<0xFF800000> : vector<512xf32>
    %reduce_max3A_42 = vector.multi_reduction <maximumf>, %select_n3A_40, %reduce_max3A_41 [0] : vector<32x512xf32> to vector<512xf32>
    %convert_element_type3A_43 = arith.extui %eq3A_0 : i1 to i32
    %cond3A_44 = arith.constant 0 : i32
    %cond3A_45 = arith.cmpi ne, %convert_element_type3A_43, %cond3A_44 : i32
    scf.if %cond3A_45 {
      %swap3A = arith.constant 0 : index
      %swap3A_51 = arith.constant 0 : index
      %swap3A_52 = arith.constant 0 : index
      %swap3A_53 = vector.load %arg6[%swap3A, %swap3A_51, %swap3A_52] : memref<1x1x512xf32, #tpu.memory_space<vmem>>, vector<1x1x512xf32>
      %swap3A_54 = vector.shape_cast %swap3A_53 : vector<1x1x512xf32> to vector<512xf32>
      %swap3A_55 = vector.shape_cast %reduce_min3A_37 : vector<512xf32> to vector<1x1x512xf32>
      tpu.vector_store %arg6[%swap3A, %swap3A_51, %swap3A_52], %swap3A_55 {strides = array<i32>} : memref<1x1x512xf32, #tpu.memory_space<vmem>>, vector<1x1x512xf32>,
      %swap3A_56 = arith.constant 0 : index
      %swap3A_57 = arith.constant 0 : index
      %swap3A_58 = arith.constant 0 : index
      %swap3A_59 = vector.load %arg7[%swap3A_56, %swap3A_57, %swap3A_58] : memref<1x1x512xf32, #tpu.memory_space<vmem>>, vector<1x1x512xf32>
      %swap3A_60 = vector.shape_cast %swap3A_59 : vector<1x1x512xf32> to vector<512xf32>
      %swap3A_61 = vector.shape_cast %reduce_max3A_42 : vector<512xf32> to vector<1x1x512xf32>
      tpu.vector_store %arg7[%swap3A_56, %swap3A_57, %swap3A_58], %swap3A_61 {strides = array<i32>} : memref<1x1x512xf32, #tpu.memory_space<vmem>>, vector<1x1x512xf32>,
    } else {
    }
    %not3A_46 = arith.constant true
    %not3A_47 = arith.xori %eq3A_0, %not3A_46 : i1
    %convert_element_type3A_48 = arith.extui %not3A_47 : i1 to i32
    %cond3A_49 = arith.constant 0 : i32
    %cond3A_50 = arith.cmpi ne, %convert_element_type3A_48, %cond3A_49 : i32
    scf.if %cond3A_50 {
      %get3A_51 = arith.constant 0 : index
      %get3A_52 = arith.constant 0 : index
      %get3A_53 = arith.constant 0 : index
      %get3A_54 = vector.load %arg6[%get3A_51, %get3A_52, %get3A_53] : memref<1x1x512xf32, #tpu.memory_space<vmem>>, vector<1x1x512xf32>
      %get3A_55 = vector.shape_cast %get3A_54 : vector<1x1x512xf32> to vector<512xf32>
      %min3A = arith.minimumf %get3A_55, %reduce_min3A_37 : vector<512xf32>
      %swap3A = arith.constant 0 : index
      %swap3A_56 = arith.constant 0 : index
      %swap3A_57 = arith.constant 0 : index
      %swap3A_58 = vector.load %arg6[%swap3A, %swap3A_56, %swap3A_57] : memref<1x1x512xf32, #tpu.memory_space<vmem>>, vector<1x1x512xf32>
      %swap3A_59 = vector.shape_cast %swap3A_58 : vector<1x1x512xf32> to vector<512xf32>
      %swap3A_60 = vector.shape_cast %min3A : vector<512xf32> to vector<1x1x512xf32>
      tpu.vector_store %arg6[%swap3A, %swap3A_56, %swap3A_57], %swap3A_60 {strides = array<i32>} : memref<1x1x512xf32, #tpu.memory_space<vmem>>, vector<1x1x512xf32>,
      %get3A_61 = arith.constant 0 : index
      %get3A_62 = arith.constant 0 : index
      %get3A_63 = arith.constant 0 : index
      %get3A_64 = vector.load %arg7[%get3A_61, %get3A_62, %get3A_63] : memref<1x1x512xf32, #tpu.memory_space<vmem>>, vector<1x1x512xf32>
      %get3A_65 = vector.shape_cast %get3A_64 : vector<1x1x512xf32> to vector<512xf32>
      %max3A = arith.maximumf %get3A_65, %reduce_max3A_42 : vector<512xf32>
      %swap3A_66 = arith.constant 0 : index
      %swap3A_67 = arith.constant 0 : index
      %swap3A_68 = arith.constant 0 : index
      %swap3A_69 = vector.load %arg7[%swap3A_66, %swap3A_67, %swap3A_68] : memref<1x1x512xf32, #tpu.memory_space<vmem>>, vector<1x1x512xf32>
      %swap3A_70 = vector.shape_cast %swap3A_69 : vector<1x1x512xf32> to vector<512xf32>
      %swap3A_71 = vector.shape_cast %max3A : vector<512xf32> to vector<1x1x512xf32>
      tpu.vector_store %arg7[%swap3A_66, %swap3A_67, %swap3A_68], %swap3A_71 {strides = array<i32>} : memref<1x1x512xf32, #tpu.memory_space<vmem>>, vector<1x1x512xf32>,
    } else {
    }
    return
  }
  func.func @transform_0(%arg0: i32, %arg1: i32) -> (i32, i32, i32, i32) {
    %c0_i32 = arith.constant 0 : i32
    %c0_i32_0 = arith.constant 0 : i32
    %c0_i32_1 = arith.constant 0 : i32
    return %arg0, %arg1, %c0_i32, %c0_i32_0 : i32, i32, i32, i32
  }
  func.func @transform_1(%arg0: i32, %arg1: i32) -> (i32, i32, i32, i32) {
    %c0_i32 = arith.constant 0 : i32
    %c0_i32_0 = arith.constant 0 : i32
    %c0_i32_1 = arith.constant 0 : i32
    return %arg0, %arg1, %c0_i32, %c0_i32_0 : i32, i32, i32, i32
  }
  func.func @transform_2(%arg0: i32, %arg1: i32) -> (i32, i32, i32) {
    %c0_i32 = arith.constant 0 : i32
    %c0_i32_0 = arith.constant 0 : i32
    %c0_i32_1 = arith.constant 0 : i32
    return %arg0, %c0_i32, %c0_i32_0 : i32, i32, i32
  }
  func.func @transform_3(%arg0: i32, %arg1: i32) -> (i32, i32, i32) {
    %c0_i32 = arith.constant 0 : i32
    %c0_i32_0 = arith.constant 0 : i32
    %c0_i32_1 = arith.constant 0 : i32
    return %arg0, %c0_i32, %c0_i32_0 : i32, i32, i32
  }
  func.func @transform_4(%arg0: i32, %arg1: i32) -> (i32, i32, i32) {
    %c0_i32 = arith.constant 0 : i32
    %c0_i32_0 = arith.constant 0 : i32
    %c0_i32_1 = arith.constant 0 : i32
    return %arg0, %c0_i32, %c0_i32_0 : i32, i32, i32
  }
  func.func @transform_5(%arg0: i32, %arg1: i32) -> (i32, i32, i32) {
    %c0_i32 = arith.constant 0 : i32
    %c0_i32_0 = arith.constant 0 : i32
    %c0_i32_1 = arith.constant 0 : i32
    return %arg0, %c0_i32, %c0_i32_0 : i32, i32, i32
  }
}

</mosaic_0001>

<sc_bundles>
// kernel: kernel.4.cloned.1.call-start
scs
__scs_entry_jumppad:
0x0: {  	(pc) =	sbr.rel $0x88, $3  }
0x1: {  	(tag) =	ssettag $0x0;
	lr =	simm.s32 $0x1  }
0x2: {  	[smem:$0x3F9F] =	sst lr;
	_ =	strace $0xD0000000  }
0x3: {  	_ = 	snop  }
0x4: {  	_ = 	snop  }
0x5: {  	_ = 	snop  }
0x6: {  	_ = 	snop  }
0x7: {  	_ = 	snop  }
__scs_overlays_trampoline_lowered:
0x8: {  	[smem:$0x3FAE] =	sst s0  }
0x9: {  	[smem:$0x3FAF] =	sst s1  }
0xa: {  	[smem:$0x3FB0] =	sst s2  }
0xb: {  	[smem:$0x3FB1] =	sst s3  }
0xc: {  	[smem:$0x3FB2] =	sst s4  }
0xd: {  	[smem:$0x3FB3] =	sst s5  }
0xe: {  	[smem:$0x3FB4] =	sst s6  }
0xf: {  	[smem:$0x3FB5] =	sst s7  }
0x10: {  	[smem:$0x3FB6] =	sst s8  }
0x11: {  	[smem:$0x3FB7] =	sst s9;
	s0 =	simm.s32 @!p0 $0x0  }
0x12: {  	s1 =	sld [smem:$0x3F9D];
	s0 =	simm.s32 @p0 $0x1  }
0x13: {  	[smem:$0x3FB8] =	sst s0;
	s0 =	simm.s32 @!p1 $0x0  }
0x14: {  	s2 =	sld [smem:$0x3F9C];
	s0 =	simm.s32 @p1 $0x1  }
0x15: {  	[smem:$0x3FB9] =	sst s0;
	s0 =	simm.s32 @!p2 $0x0  }
0x16: {  	s3 =	sld [smem:$0x3FDB];
	s0 =	simm.s32 @p2 $0x1  }
0x17: {  	s4 =	simm.s32 $0x1BF5;
	[smem:$0x3FBB] =	sst s0  }
0x18: {  	s0 =	sld [smem:$0x3F9E];
	_ =	swait.ge [sflag:s4], $0x0  }
0x19: {  	s7 =	sld [smem:$0x3F9F]  }
0x1a: {  	s8 =	sadd.s32 $0xFFFFE003, lr  }
0x1b: {  	s9 =	sadd.s32 $0xFFFFFEF7, lr;
	s5 =	simm.s32 $0xFFFFFFFF;
	p2 =	slt.u32 s8, $0xFFFFF086  }
0x1c: {  	p1 =	slt.u32 s9, $0xF7A;
	s5 =	simm.s32 @!p2 $0x0  }
0x1d: {  	s5 =	simm.s32 @p1 $0x1;
	p0 =	seq.s32 s7, s2  }
0x1e: {  	s7 =	smul.u32 @!p0 $0xF7A, s2;
	p2 =	seq.s32 @!p0 s5, $0x0  }
0x1f: {  	s9 =	smul.u32 $0xF7A, s1;
	s8 =	simm.s32 @!p0 $0x1BF5;
	p2 =	por !p2, p0  }
0x20: {  	[sflag:s8] =	ssyncset.s32 @!p0 $0xFFFFF086;
	s6 =	sadd.s32 @!p0 s3, s7;
	s7 =	simm.s32 @!p0 $0x108  }
0x21: {  	s3 =	sadd.s32 s3, s9;
	s6 =	sadd.s32 @!p0 $0x88, s6;
	s7 =	simm.s32 @p2 $0x1082  }
0x22: {  	[simem:s7], [sflag:s8] =	dma.local @!p0 [hbm:s6], $0xF7A  }
0x23: {  	s9 =	sor.u32 $0xD0000000, s2;
	s6 =	simm.s32 $0x108;
	_ =	swait.ge @!p0 [sflag:s8], $0x0  }
0x24: {  	s3 =	sadd.s32 $0x88, s3;
	s6 =	simm.s32 @!p1 $0x1082;
	[sflag:s4] =	ssyncset.s32 $0xFFFFF086  }
0x25: {  	[simem:s6], [sflag:s4] =	dma.local [hbm:s3], $0xF7A  }
0x26: {  	[smem:$0x3F9F] =	sst s1;
	(tag) =	ssettag s2;
	_ =	strace s9  }
0x27: {  	s1 =	sld [smem:$0x3FAF]  }
0x28: {  	s2 =	sld [smem:$0x3FB0]  }
0x29: {  	s4 =	sld [smem:$0x3FB2]  }
0x2a: {  	p0 =	seq.s32 s5, $0x0;
	s5 =	sld [smem:$0x3FB3]  }
0x2b: {  	s6 =	sld [smem:$0x3FB4]  }
0x2c: {  	s7 =	sld [smem:$0x3FB5]  }
0x2d: {  	s3 =	simm.s32 $0x108;
	s8 =	sld [smem:$0x3FB6]  }
0x2e: {  	s3 =	simm.s32 @!p0 $0x1082;
	s9 =	sld [smem:$0x3FB7]  }
0x2f: {  	lr =	sadd.s32 s0, s3;
	s0 =	sld [smem:$0x3FAE]  }
0x30: {  	s3 =	sld [smem:$0x3FB1]  }
0x31: {  	[smem:$0x3FBA] =	sst s10  }
0x32: {  	s10 =	sld [smem:$0x3FB8];
	_ =	sdelay $0x3  }
0x33: {  	p0 =	seq.s32 s10, $0x1;
	s10 =	sld [smem:$0x3FBA];
	_ =	sdelay $0x3  }
0x34: {  	[smem:$0x3FBA] =	sst s10  }
0x35: {  	s10 =	sld [smem:$0x3FB9];
	_ =	sdelay $0x3  }
0x36: {  	p1 =	seq.s32 s10, $0x1;
	s10 =	sld [smem:$0x3FBA];
	_ =	sdelay $0x3  }
0x37: {  	[smem:$0x3FBA] =	sst s10  }
0x38: {  	s10 =	sld [smem:$0x3FBB]  }
0x39: {  	_ = 	snop;
	(pc) =	sbr.ind lr, $3  }
0x3a: {  	_ = 	snop  }
0x3b: {  	_ = 	snop  }
0x3c: {  	p2 =	seq.s32 s10, $0x1;
	s10 =	sld [smem:$0x3FBA]  }
0x3d: {  	_ =	shalt  }
0x3e: {  	_ =	shalt  }
0x3f: {  	_ =	shalt  }
0x40: {  	_ =	shalt  }
0x41: {  	_ =	shalt  }
0x42: {  	_ =	shalt  }
0x43: {  	_ =	shalt  }
0x44: {  	_ =	shalt  }
0x45: {  	_ =	shalt  }
0x46: {  	_ =	shalt  }
0x47: {  	_ =	shalt  }
0x48: {  	_ =	shalt  }
0x49: {  	_ =	shalt  }
0x4a: {  	_ =	shalt  }
0x4b: {  	_ =	shalt  }
0x4c: {  	_ =	shalt  }
0x4d: {  	_ =	shalt  }
0x4e: {  	_ =	shalt  }
0x4f: {  	_ =	shalt  }
0x50: {  	_ =	shalt  }
0x51: {  	_ =	shalt  }
0x52: {  	_ =	shalt  }
0x53: {  	_ =	shalt  }
0x54: {  	_ =	shalt  }
0x55: {  	_ =	shalt  }
0x56: {  	_ =	shalt  }
0x57: {  	_ =	shalt  }
0x58: {  	_ =	shalt  }
0x59: {  	_ =	shalt  }
0x5a: {  	_ =	shalt  }
0x5b: {  	_ =	shalt  }
0x5c: {  	_ =	shalt  }
0x5d: {  	_ =	shalt  }
0x5e: {  	_ =	shalt  }
0x5f: {  	_ =	shalt  }
0x60: {  	_ =	shalt  }
0x61: {  	_ =	shalt  }
0x62: {  	_ =	shalt  }
0x63: {  	_ =	shalt  }
0x64: {  	_ =	shalt  }
0x65: {  	_ =	shalt  }
0x66: {  	_ =	shalt  }
0x67: {  	_ =	shalt  }
0x68: {  	_ =	shalt  }
0x69: {  	_ =	shalt  }
0x6a: {  	_ =	shalt  }
0x6b: {  	_ =	shalt  }
0x6c: {  	_ =	shalt  }
0x6d: {  	_ =	shalt  }
0x6e: {  	_ =	shalt  }
0x6f: {  	_ =	shalt  }
0x70: {  	_ =	shalt  }
0x71: {  	_ =	shalt  }
0x72: {  	_ =	shalt  }
0x73: {  	_ =	shalt  }
0x74: {  	_ =	shalt  }
0x75: {  	_ =	shalt  }
0x76: {  	_ =	shalt  }
0x77: {  	_ =	shalt  }
0x78: {  	_ =	shalt  }
0x79: {  	_ =	shalt  }
0x7a: {  	_ =	shalt  }
0x7b: {  	_ =	shalt  }
0x7c: {  	_ =	shalt  }
0x7d: {  	_ =	shalt  }
0x7e: {  	_ =	shalt  }
0x7f: {  	_ =	shalt  }
0x80: {  	_ =	shalt  }
0x81: {  	_ =	shalt  }
0x82: {  	_ =	shalt  }
0x83: {  	_ =	shalt  }
0x84: {  	_ =	shalt  }
0x85: {  	_ =	shalt  }
0x86: {  	_ =	shalt  }
0x87: {  	_ =	shalt  }
.Lfunc_end0:
.L_simem_size_0:
called_computation_lowered:
.L_overlay_start_0:
0x88: {  	s2 =	sld [smem:$0x3FD9]  }
0x89: {  	s3 =	sld [smem:$0x3FFE];
	_ =	sdelay $0x1  }
0x8a: {  	s1 =	srdreg.scid  }
0x8b: {  	s0 =	sand.u32 $0x1, s1  }
0x8c: {  	s16 =	sshll.u32 s0, $0xA;
	s2 =	sadd.s32 s3, s2  }
0x8d: {  	s2 =	sadd.s32 s2, s16  }
0x8e: {  	[smem:$0x3FC6] =	sst s2  }
0x8f: {  	_ = 	snop  }
0x90: {  	(tm) =	ssettm $0x1  }
0x91: {  	s17 =	sld [smem:$0x3FFB];
	_ =	sdelay $0x3  }
0x92: {  	_ =	strace s17  }
0x93: {  	s2 =	sld [smem:$0x3FFC];
	_ =	sdelay $0x3  }
0x94: {  	_ =	strace s2  }
0x95: {  	s2 =	sld [smem:$0x3FFD];
	_ =	sdelay $0x3  }
0x96: {  	_ =	strace s2  }
0x97: {  	_ =	strace $0x8FFFFFFF  }
0x98: {  	s18 =	sld [smem:$0x3FDB];
	_ =	sdelay $0x1  }
0x99: {  	s19 =	simm.s32 $_scs_section_size  }
0x9a: {  	s4 =	simm.s32 $_size__tile_overlayer_lowered;
	s5 =	simm.s32 $_tile_overlayer_lowered  }
0x9b: {  	s22 =	simm.s32 $0x1BFF;
	s21 =	sshll.u32 s5, $0x1;
	s2 =	sadd.s32 s19, s18  }
0x9c: {  	s6 =	simm.s32 $0x0;
	s20 =	sshll.u32 s4, $0x1;
	s4 =	sadd.s32 s21, s2  }
0x9d: {  	[timem:s6], [sflag:s22] =	dma.local [hbm:s4], s20  }
0x9e: {  	_ =	swait.ge [sflag:s22], s20  }
0x9f: {  	s3 =	ssub.s32 $0x0, s20;
	[sflag:s22] =	ssyncset.done $0x0  }
0xa0: {  	[sflag:s22] =	ssyncadd.s32 s3;
	_ =	sdelay $0x1  }
0xa1: {  	s23 =	simm.s32 $0x1B8B  }
0xa2: {  	_ =	swait.ge [sflag:s23], $0x1  }
0xa3: {  	[sflag:s23] =	ssyncset.done $0x0  }
0xa4: {  	s25 =	simm.s32 $0x1B8E;
	s24 =	sld [smem:$0x3FFE];
	[sflag:s23] =	ssyncadd.s32 $0xFFFFFFFF  }
0xa5: {  	s26 =	simm.s32 $execute0_lowered;
	[smem:$0x3FD2] =	sst s25  }
0xa6: {  	s4 =	sshll.u32 s26, $0x1;
	_ =	strace $0x80000046;
	[dreg:$0x1] =	wrdreg $0xFFFFFFFF  }
0xa7: {  	s28 =	simm.s32 $_size_execute0_lowered;
	s2 =	sadd.s32 s2, s4;
	[dreg:$0x0] =	wrdreg $0x0  }
0xa8: {  	s4 =	sshll.u32 s28, $0x1;
	[dreg:$0x2] =	wrdreg s2  }
0xa9: {  	[dreg:$0x3] =	wrdreg s4  }
0xaa: {  	[dreg:$0x4] =	wrdreg $0xC0  }
0xab: {  	_ =	task [dreg:s6], $0x5FFFF  }
0xac: {  	[dreg:$0x1] =	wrdreg $0xFFFFFFFF  }
0xad: {  	[dreg:$0x0] =	wrdreg $0x60  }
0xae: {  	[dreg:$0x2] =	wrdreg s24  }
0xaf: {  	[dreg:$0x3] =	wrdreg $0x9  }
0xb0: {  	_ =	task.clear_ibuf [dreg:s6], $0x4FFFF;
	_ =	strace $0x90000046  }
0xb1: {  	s29 =	simm.s32 $0x9;
	_ =	strace $0x80000048  }
0xb2: {  	_ =	swait.ge [sflag:s29], $0x1  }
0xb3: {  	[sflag:s29] =	ssyncadd.s32 $0xFFFFFFFF  }
0xb4: {  	_ =	strace $0x90000048  }
0xb5: {  	_ =	sfence  }
0xb6: {  	s30 =	sld [smem:$0x0];
	_ =	sdelay $0x2  }
0xb7: {  	s31 =	sshll.u32 s1, $0xD;
	s1 =	sshrl.u32 s1, $0x2  }
0xb8: {  	s3 =	sand.u32 $0x4000, s31;
	s1 =	sadd.s32 s1, s30  }
0xb9: {  	s0 =	sor.u32 s3, s0;
	s1 =	sshll.u32 s1, $0x11  }
0xba: {  	s0 =	sor.u32 s1, s0  }
0xbb: {  	s0 =	sadd.s32 $0x8F2B, s0  }
0xbc: {  	[sflag:s0] =	ssyncadd.remote.s32 $0x1  }
0xbd: {  	_ =	sfence.sel $0xFFFF  }
0xbe: {  	[dreg:$0x0] =	wrdreg $0xFFFFFFFF;
	(pc) =	sbr.abs _section_cstart, $3  }
0xbf: {  	[dreg:$0x1] =	wrdreg $0xFFFFFFFF  }
0xc0: {  	_ =	task.clear_ibuf [dreg:s6], $0x2FFFF;
	_ =	strace $0x9FFFFFFF  }
0xc1: {  	(tm) =	ssettm $0x7FFFFFFF  }
tec
execute0_lowered:
.L_overlay_start_1:
0x0: {  	(tag) =	ssettag $0x1  }
0x1: {  	s2 =	rddreg [dreg:$0x0];
	s4 =	simm.s32 $0x0  }
0x2: {  	[smem:$0x7FF] =	sst s4  }
0x3: {  	s0 =	rddreg [dreg:$0x1];
	v0 =	vimm.f32 $2.000000000e+00;
	_ =	strace $0x80000047  }
0x4: {  	(erf) = vrcp.f32 v0;
	v0 =	vimm.f32 $2.000000000e+01  }
0x5: {  	s1 =	srdreg.scid;
	(erf) = vrcp.f32 v0  }
0x6: {  	s3 =	sand.u32 $0x1, s1  }
0x7: {  	s1 =	stileid.u32;
	p0 =	seq.s32 s3, $0x1  }
0x8: {  	p1 =	sgt.u32 @!p0 s1, $0x3  }
0x9: {  	p0 =	por p0, p1  }
.Ltmp0:
0xa: {  	_ = 	snop;
	(pc) =	sbr.rel @p0 .LBB2_6-.Ltmp0, $3  }
0xb: {  	_ =	sdelay $0x1  }
0xc: {  	v1 =	vpop (erf)  }
0xd: {  	v0 =	vpop (erf)  }
0xe: {  	s3 =	sadd.s32 $0xA00, s2;
	s5 =	sshll.u32 s1, $0x6  }
0xf: {  	s6 =	simm.s32 $0x1;
	s3 =	sadd.s32 s3, s5  }
0x10: {  	[tilespmem:s4], [sflag:$0x1] =	stream.linear.gather [hbm4b:s3+s4], $0x200, $0x38;
	[tilespmem:$0x880] =	vst v63  }
0x11: {  	_ =	swait.ge [sflag:s6], $0x200  }
0x12: {  	s26 =	sadd.s32 $0xC00, s2;
	[sflag:s6] =	ssyncset.done $0x0  }
0x13: {  	s7 =	simm.s32 $0x200;
	s3 =	sadd.s32 s26, s5;
	[sflag:s6] =	ssyncadd.s32 $0xFFFFFE00  }
0x14: {  	[tilespmem:s7], [sflag:$0x1] =	stream.linear.gather [hbm4b:s3+s4], $0x200, $0x38;
	[tilespmem:$0x880] =	vst v63  }
0x15: {  	_ =	swait.ge [sflag:s6], $0x200  }
0x16: {  	s28 =	sadd.s32 $0xE00, s2;
	[sflag:s6] =	ssyncset.done $0x0  }
0x17: {  	s8 =	sadd.s32 s28, s5;
	s3 =	simm.s32 $0x400;
	[sflag:s6] =	ssyncadd.s32 $0xFFFFFE00  }
0x18: {  	[tilespmem:s3], [sflag:$0x1] =	stream.linear.gather [hbm4b:s8+s4], $0x200, $0x38;
	[tilespmem:$0x880] =	vst v63  }
0x19: {  	_ =	swait.ge [sflag:s6], $0x200  }
0x1a: {  	s29 =	sadd.s32 $0x1000, s2;
	[sflag:s6] =	ssyncset.done $0x0  }
0x1b: {  	s8 =	sadd.s32 s29, s5;
	s5 =	simm.s32 $0x600;
	[sflag:s6] =	ssyncadd.s32 $0xFFFFFE00  }
0x1c: {  	[tilespmem:s5], [sflag:$0x1] =	stream.linear.gather [hbm4b:s8+s4], $0x200, $0x38;
	[tilespmem:$0x880] =	vst v63  }
0x1d: {  	_ =	swait.ge [sflag:s6], $0x200  }
0x1e: {  	[sflag:s6] =	ssyncset.done $0x0  }
0x1f: {  	[sflag:s6] =	ssyncadd.s32 $0xFFFFFE00  }
0x20: {  	v4 =	vld [tilespmem:s7+$0x0];
	_ =	sdelay $0x1  }
0x21: {  	v5 =	vlaneseq.u32;
	v9 =	vld [tilespmem:s4+$0x0]  }
0x22: {  	s30 =	sshll.u32 s1, $0x4;
	v3 =	vimm.f32 $5.120000000e+02;
	v2 =	vimm.f32 $-1.000000000e+00;
	v6 =	vor.u32 s4, v5  }
0x23: {  	v8 =	vimm.f32 $5.120000000e+02;
	v10 =	vimm.f32 $-1.000000000e+00;
	s31 =	sadd.s32 s30, s2;
	v11 =	vcvt.s32.f32 v6  }
0x24: {  	s2 =	sadd.s32 $0x1200, s31;
	v6 =	vimm.f32 $5.120000000e+02;
	s6 =	simm.s32 $0x10;
	s7 =	simm.s32 $0x210;
	vm0 =	vge.f32 v4, $0.0e+00;
	v4 =	vmax.f32 v2, v4  }
.LBB2_2:
0x25: {  	v7 =	vld [tilespmem:s7+$0x0];
	p0 =	sne.s32 s6, $0x1F0;
	v12 =	vnsel vm0, $0x44000000, v11;
	v11 =	vnsel vm0, $0xBF800000, v11;
	s8 =	smov.u32 s6;
	s6 =	sadd.s32 $0x10, s6  }
.Ltmp1:
0x26: {  	s4 =	sadd.s32 $0x10, s4;
	v8 =	vmin.f32 v8, v9;
	v6 =	vmin.f32 v6, v12;
	v10 =	vmax.f32 v10, v11;
	(pc) =	sbr.rel @p0 .LBB2_2-.Ltmp1, $4  }
0x27: {  	v9 =	vld [tilespmem:s4+$0x0]  }
0x28: {  	v11 =	vor.u32 s8, v5  }
0x29: {  	v11 =	vcvt.s32.f32 v11  }
0x2a: {  	s7 =	sadd.s32 $0x10, s7;
	vm0 =	vge.f32 v7, $0.0e+00;
	v4 =	vmax.f32 v4, v7  }
0x2b: {  	v13 =	vld [tilespmem:s5+$0x0]  }
0x2c: {  	v5 =	vnsel vm0, $0x44000000, v11;
	v7 =	vlaneseq.u32;
	v11 =	vnsel vm0, $0xBF800000, v11  }
0x2d: {  	s4 =	simm.s32 $0x0;
	v8 =	vmin.f32 v8, v9;
	v9 =	vmin.f32 v6, v5;
	v5 =	vmax.f32 v10, v11;
	v11 =	vld [tilespmem:s3+$0x0]  }
0x2e: {  	v12 =	vor.u32 s4, v7  }
0x2f: {  	v12 =	vcvt.s32.f32 v12  }
0x30: {  	s5 =	simm.s32 $0x610;
	s4 =	simm.s32 $0x10;
	v10 =	vimm.f32 $5.120000000e+02;
	vm0 =	vge.f32 v13, $0.0e+00;
	v6 =	vmax.f32 v2, v13  }
.LBB2_4:
0x31: {  	v13 =	vld [tilespmem:s5+$0x0];
	p0 =	sne.s32 s4, $0x1F0;
	v14 =	vnsel vm0, $0x44000000, v12;
	v12 =	vnsel vm0, $0xBF800000, v12;
	s6 =	smov.u32 s4;
	s4 =	sadd.s32 $0x10, s4  }
.Ltmp2:
0x32: {  	s3 =	sadd.s32 $0x10, s3;
	v3 =	vmin.f32 v3, v11;
	v10 =	vmin.f32 v10, v14;
	v2 =	vmax.f32 v2, v12;
	(pc) =	sbr.rel @p0 .LBB2_4-.Ltmp2, $4  }
0x33: {  	v11 =	vld [tilespmem:s3+$0x0]  }
0x34: {  	v12 =	vor.u32 s6, v7  }
0x35: {  	v12 =	vcvt.s32.f32 v12  }
0x36: {  	s5 =	sadd.s32 $0x10, s5;
	vm0 =	vge.f32 v13, $0.0e+00;
	v6 =	vmax.f32 v6, v13  }
0x37: {  	(xrf0) =	vmin.scan.msk.f32 $0xffff, v8  }
0x38: {  	(xrf0) =	vmax.scan.msk.f32 $0xffff, v4  }
0x39: {  	(xrf0) =	vmin.scan.msk.f32 $0xffff, v9  }
0x3a: {  	v3 =	vmin.f32 v3, v11;
	(xrf0) =	vmax.scan.msk.f32 $0xffff, v5  }
0x3b: {  	v34 =	vnsel vm0, $0x44000000, v12;
	(xrf0) =	vmin.scan.msk.f32 $0xffff, v3  }
0x3c: {  	v35 =	vnsel vm0, $0xBF800000, v12;
	v4 =	vmin.f32 v10, v34;
	(xrf0) =	vmax.scan.msk.f32 $0xffff, v6  }
0x3d: {  	v2 =	vmax.f32 v2, v35;
	v36, _, _ =	vpop (xrf0);
	(xrf0) =	vmin.scan.msk.f32 $0xffff, v4  }
0x3e: {  	v37, _, _ =	vpop (xrf0);
	(xrf0) =	vmax.scan.msk.f32 $0xffff, v2  }
0x3f: {  	v38, _, _ =	vpop (xrf0)  }
0x40: {  	v4 =	vbroadcast v37, $0xF;
	v5, _, _ =	vpop (xrf0)  }
0x41: {  	v3 =	vbroadcast v36, $0xF;
	v2 =	vbroadcast v38, $0xF;
	v39, _, _ =	vpop (xrf0)  }
0x42: {  	v5 =	vbroadcast v5, $0xF;
	vm15 =	vge.f32 v4, $0.0e+00;
	v7, _, _ =	vpop (xrf0)  }
0x43: {  	v3 =	vnsel vm15, $0x0, v3;
	v2 =	vnsel vm15, $0x0, v2;
	v40, _, _ =	vpop (xrf0);
	v7 =	vbroadcast v7, $0xF  }
0x44: {  	v4 =	vnsel vm15, $0x3F800000, v4;
	v6 =	vbroadcast v39, $0xF;
	v5 =	vnsel vm15, $0x3F800000, v5;
	v41, _, _ =	vpop (xrf0)  }
0x45: {  	v8 =	vbroadcast v40, $0xF;
	v9 =	vbroadcast v41, $0xF;
	vm1 =	vge.f32 v7, $0.0e+00  }
0x46: {  	v42 =	vadd.f32 v4, v3;
	v44 =	vadd.f32 v5, v2;
	v6 =	vnsel vm1, $0x0, v6  }
0x47: {  	v8 =	vnsel vm1, $0x0, v8;
	v7 =	vnsel vm1, $0x3F800000, v7;
	v9 =	vnsel vm1, $0x3F800000, v9  }
0x48: {  	v43 =	vadd.f32 v7, v6;
	v13 =	vadd.f32 v9, v8  }
0x49: {  	v10 =	vmul.f32 v42, v1;
	v12 =	vmul.f32 v44, v1  }
0x4a: {  	v11 =	vmul.f32 v43, v1;
	v45 =	vmul.f32 v13, v1  }
0x4b: {  	v46 =	vsub.f32 v7, v6;
	v14 =	vsub.f32 v9, v8  }
0x4c: {  	v10 =	vsub.f32 v10, v11;
	v1 =	vsub.f32 v12, v45  }
0x4d: {  	v47 =	vadd.f32 $1.000000000e+00, v46;
	v48 =	vadd.f32 $1.000000000e+00, v14  }
0x4e: {  	v10 =	vmul.f32 v10, v10;
	v1 =	vmul.f32 v1, v1  }
0x4f: {  	v11 =	vmul.f32 v48, v47  }
0x50: {  	v1 =	vadd.f32 v1, v10  }
0x51: {  	v49 =	vadd.f32 $1.000000000e+00, v11  }
0x52: {  	v50 =	vshrl.u32 v1, $0x1  }
0x53: {  	(erf) = vrcp.f32 v49;
	v51 =	vadd.s32 $0x1FBD1DF5, v50  }
0x54: {  	(erf) = vrcp.f32 v51;
	_ =	sdelay $0x7  }
0x55: {  	v52 =	vpop (erf)  }
0x56: {  	v53 =	vpop (erf)  }
0x57: {  	v13 =	vmul.f32 v53, v1;
	_ =	sdelay $0x1  }
0x58: {  	v10 =	vadd.f32 v51, v13;
	_ =	sdelay $0x1  }
0x59: {  	v10 =	vmul.f32 $5.000000000e-01, v10;
	_ =	sdelay $0x1  }
0x5a: {  	(erf) = vrcp.f32 v10;
	_ =	sdelay $0x8  }
0x5b: {  	v54 =	vpop (erf)  }
0x5c: {  	v13 =	vmul.f32 v54, v1;
	_ =	sdelay $0x1  }
0x5d: {  	v10 =	vadd.f32 v13, v10;
	_ =	sdelay $0x1  }
0x5e: {  	v10 =	vmul.f32 $5.000000000e-01, v10;
	_ =	sdelay $0x1  }
0x5f: {  	(erf) = vrcp.f32 v10;
	_ =	sdelay $0x8  }
0x60: {  	v55 =	vpop (erf)  }
0x61: {  	v13 =	vmul.f32 v55, v1;
	_ =	sdelay $0x1  }
0x62: {  	v56 =	vsub.f32 v4, v3;
	v10 =	vadd.f32 v13, v10  }
0x63: {  	v57 =	vsub.f32 v5, v2;
	v3 =	vmax.f32 v3, v6;
	v2 =	vmax.f32 v2, v8  }
0x64: {  	v4 =	vmin.f32 v4, v7;
	v5 =	vmin.f32 v5, v9;
	v10 =	vmul.f32 $5.000000000e-01, v10  }
0x65: {  	v3 =	vsub.f32 v4, v3;
	v2 =	vsub.f32 v5, v2  }
0x66: {  	v58 =	vadd.f32 $1.000000000e+00, v56;
	v59 =	vadd.f32 $1.000000000e+00, v57;
	(erf) = vrcp.f32 v10  }
0x67: {  	v3 =	vadd.f32 $1.000000000e+00, v3;
	v2 =	vadd.f32 $1.000000000e+00, v2  }
0x68: {  	v4 =	vmul.f32 v59, v58  }
0x69: {  	v3 =	vmax.f32 v3, $0.0e+00;
	v2 =	vmax.f32 v2, $0.0e+00  }
0x6a: {  	v2 =	vmul.f32 v2, v3;
	v60 =	vadd.f32 v11, v4;
	_ =	sdelay $0x1  }
0x6b: {  	v3 =	vsub.f32 v60, v2;
	_ =	sdelay $0x1  }
0x6c: {  	v3 =	vadd.f32 $9.999999970e-07, v3  }
0x6d: {  	v61 =	vpop (erf)  }
0x6e: {  	(erf) = vrcp.f32 v3;
	v1 =	vmul.f32 v61, v1;
	_ =	sdelay $0x1  }
0x6f: {  	v1 =	vadd.f32 v1, v10  }
0x70: {  	v62 =	vsub.f32 v4, v11  }
0x71: {  	v1 =	vmul.f32 $5.000000000e-01, v1  }
0x72: {  	v3 =	vmax.f32 v62, $0.0e+00  }
0x73: {  	v3 =	vmul.f32 v52, v3;
	v0 =	vmul.f32 v1, v0;
	_ =	sdelay $0x1  }
0x74: {  	v0 =	vadd.f32 v0, v3  }
0x75: {  	v63 =	vpop (erf)  }
0x76: {  	v1 =	vmul.f32 v63, v2;
	v0 =	vadd.f32 $1.000000000e+00, v0;
	_ =	sdelay $0x1  }
0x77: {  	v0 =	vsub.f32 v0, v1;
	_ =	sdelay $0x1  }
0x78: {  	v0 =	vadd.f32 v0, v0;
	_ =	sdelay $0x1  }
0x79: {  	v0 =	vmul.f32 $1.442695020e+00, v0;
	_ =	sdelay $0x1  }
0x7a: {  	(erf) = vpow2.f32 v0;
	_ =	sdelay $0x8  }
0x7b: {  	v0 =	vpop (erf)  }
0x7c: {  	v0 =	vadd.f32 $1.000000000e+00, v0;
	_ =	sdelay $0x1  }
0x7d: {  	(erf) = vrcp.f32 v0;
	_ =	sdelay $0x8  }
0x7e: {  	v0 =	vpop (erf)  }
0x7f: {  	v0 =	vadd.f32 v0, v0;
	_ =	sdelay $0x1  }
0x80: {  	v0 =	vsub.f32 $1.000000000e+00, v0  }
0x81: {  	vm0 =	vmand vm15, vm1  }
0x82: {  	v0 =	vnsel vm0, $0x0, v0  }
0x83: {  	s3 =	simm.s32 $0x0;
	s4 =	simm.s32 $0x800;
	s31 =	simm.s32 $0x1;
	[tilespmem:$0x800] =	vst v0  }
0x84: {  	[hbm4b:s2+s3] =	stream.linear.scatter [tilespmem:s4], [sflag:$0x1], $0x80, $0x38;
	[tilespmem:$0x880] =	vst v63  }
0x85: {  	_ =	swait.ge [sflag:s31], $0x80  }
0x86: {  	[sflag:s31] =	ssyncset.done $0x0  }
0x87: {  	[sflag:s31] =	ssyncadd.s32 $0xFFFFFF80  }
.LBB2_6:
0x88: {  	_ =	sfence.sel $0x180000  }
0x89: {  	[bflag:$0x0] =	sbarrier.arrive $0xFFFF  }
0x8a: {  	p0 =	sne.s32 s1, $0x0;
	_ =	strace $0x90000047  }
0x8b: {  	s0 =	sadd.s32 @!p0 $0x100000, s0;
	[bflag:$0x2] =	sbarrier.arrive $0xFFFF  }
0x8c: {  	[sflag:s0] =	ssyncadd.tile.s32 @!p0 $0x1;
	_ =	shalt  }
.Lfunc_end2:
_tile_overlayer_lowered:
.L_overlay_start_2:
0x8d: {  	(tag) =	ssettag $0x2  }
0x8e: {  	s0 =	rddreg [dreg:$0x0];
	s2 =	stileid.u32  }
0x8f: {  	s1 =	rddreg [dreg:$0x1];
	p0 =	sne.s32 s2, $0x0  }
0x90: {  	s3 =	rddreg [dreg:$0x2];
	[bflag:$0x3] =	sbarrier.arrive $0xFFFF;
	s2 =	simm.s32 @!p0 $0x1C01  }
0x91: {  	[timem:s3], [sflag:s2] =	dma.local @!p0 [hbm:s0], s1  }
0x92: {  	s0 =	simm.s32 @!p0 $0x1  }
0x93: {  	_ =	swait.ge @!p0 [sflag:s0], s1  }
0x94: {  	s1 =	ssub.s32 @!p0 $0x0, s1;
	[sflag:s0] =	ssyncset.done @!p0 $0x0  }
0x95: {  	[sflag:s0] =	ssyncadd.s32 @!p0 s1  }
0x96: {  	[bflag:$0x3] =	sbarrier.arrive $0xFFFF  }
0x97: {  	_ =	shalt  }

</sc_bundles>
